<compile_context>
chip_gen: v7x
topology: tpu7x:2x2x1
jax: 0.10.2.dev20260603
libtpu: 0.0.44.dev20260713+nightly
codegen_flags: <defaults>
</compile_context>

<pallas_src>
import functools

import jax
import jax.numpy as jnp
from jax import lax
from jax.experimental import pallas as pl
from jax.experimental.pallas import tpu as pltpu
from jax.experimental.pallas import tpu_sc as plsc

D = 64
NG = 16
MP = 16
Q = NG * MP
LMD = 0.5
IDX_CHUNK = 128


def _sc_gather(item_pairs, pair_idx2d, user_embed, B):
    NC, NS = 2, 16
    NW = NC * NS
    b_per_w = B // NW
    n_chunks = b_per_w // IDX_CHUNK
    mesh = plsc.VectorSubcoreMesh(
        core_axis_name="c", subcore_axis_name="s",
        num_cores=NC, num_subcores=NS)

    @functools.partial(
        pl.kernel,
        out_type=jax.ShapeDtypeStruct((B, 2 * D), jnp.float32),
        mesh=mesh,
        scratch_types=[
            pltpu.VMEM((n_chunks, IDX_CHUNK), jnp.int32),
            pltpu.VMEM((b_per_w, 2 * D), jnp.float32),
            pltpu.SemaphoreType.DMA,
        ],
        compiler_params=pltpu.CompilerParams(use_tc_tiling_on_sc=True),
    )
    def gather_k(pair_tbl, iidx, user_tbl, item_out, idx_v, rows_v, sem):
        wid = lax.axis_index("s") * NC + lax.axis_index("c")
        base = wid * b_per_w
        pltpu.sync_copy(iidx.at[pl.ds(wid * n_chunks, n_chunks)], idx_v)
        copies = []
        for c in range(n_chunks):
            copies.append(pltpu.async_copy(
                pair_tbl.at[idx_v.at[c]],
                rows_v.at[pl.ds(c * IDX_CHUNK, IDX_CHUNK)], sem))
        for cp in copies:
            cp.wait()
        pltpu.sync_copy(rows_v, item_out.at[pl.ds(base, b_per_w)])

    return gather_k(item_pairs, pair_idx2d, user_embed)


def _tc_body(item2_ref, ohp_ref, midx_ref, user_hbm, maskmm_ref, maskgm_ref,
             gemb_ref, w1at_ref, w1bt_ref, b1_ref, w2t_ref, b2_ref,
             wp_ref, pb1_ref, wp2t_ref, pb2_ref,
             out_ref, WC_s, U2_s, W2rep_s, MR_s, sem):

    @pl.when(pl.program_id(0) == 0)
    def _prep():
        def fire(j, carry):
            idx = midx_ref[j]
            pltpu.make_async_copy(
                user_hbm.at[pl.ds(idx, 1)], MR_s.at[pl.ds(j, 1)], sem).start()
            return carry
        lax.fori_loop(0, Q, fire, 0)

        def drain(j, carry):
            idx = midx_ref[j]
            pltpu.make_async_copy(
                user_hbm.at[pl.ds(idx, 1)], MR_s.at[pl.ds(j, 1)], sem).wait()
            return carry
        lax.fori_loop(0, Q, drain, 0)

        U2 = MR_s[...] * maskmm_ref[...]
        U2_s[...] = U2
        w1at = w1at_ref[...]
        qi = lax.broadcasted_iota(jnp.int32, (MP, Q), 1)
        ri = lax.broadcasted_iota(jnp.int32, (MP, Q), 0)
        acc = jnp.zeros((NG, Q), jnp.float32)
        for m in range(MP):
            Pm = U2[m * NG:(m + 1) * NG, :] @ w1at
            Em = ((qi // MP == m) & (qi % MP == ri)).astype(jnp.float32)
            acc = acc + Pm @ Em
        WC_s[0:NG, :] = acc
        WC_s[NG:2 * NG, :] = (qi % MP == ri).astype(jnp.float32)
        q2 = lax.broadcasted_iota(jnp.int32, (Q, MP), 0)
        m2 = lax.broadcasted_iota(jnp.int32, (Q, MP), 1)
        v256 = (q2 % MP == m2).astype(jnp.float32) @ w2t_ref[...]
        W2rep_s[...] = (q2 // MP == m2).astype(jnp.float32) * v256

    ohp = ohp_ref[...]
    oh = ohp[:, :NG]
    par = ohp[:, NG:NG + 1]
    item2 = item2_ref[...]
    itemf = item2[:, :D] + par * (item2[:, D:] - item2[:, :D])
    Bmat = itemf @ w1bt_ref[...] + b1_ref[...]

    mq = lax.broadcasted_iota(jnp.int32, (MP, Q), 1)
    mr = lax.broadcasted_iota(jnp.int32, (MP, Q), 0)
    Tmod = (mq % MP == mr).astype(jnp.float32)
    Tdiv = (mq // MP == mr).astype(jnp.float32)

    hfull = jnp.maximum(jnp.concatenate([oh, Bmat], axis=1) @ WC_s[...], 0.0)
    logits = hfull @ W2rep_s[...] + b2_ref[...]
    logits = jnp.clip(logits, -50.0, 50.0)
    w = jnp.exp(logits) * (oh @ maskgm_ref[...])
    w = w / jnp.sum(w, axis=1, keepdims=True)
    wvec = (w @ Tdiv) * (oh @ Tmod)
    g_att = wvec @ U2_s[...]
    g = LMD * g_att + oh @ gemb_ref[...]
    new = jnp.concatenate([g * itemf, g, itemf], axis=1)
    hp = jnp.maximum(new @ wp_ref[...] + pb1_ref[...], 0.0)
    out_ref[...] = lax.dot_general(
        wp2t_ref[...], hp, (((1,), (1,)), ((), ()))) + pb2_ref[...]


def _tc_main(item2, ohp, member_idx, user_embed, mask_mm, mask_gm,
             gemb, W1aT, W1bT, b1row, W2T, b2s, Wp, pb1row, Wp2row, pb2s,
             block_b, interpret=False):
    B = item2.shape[0]
    grid = (B // block_b,)
    full = lambda shape: pl.BlockSpec(shape, lambda i: (0, 0))
    return pl.pallas_call(
        _tc_body,
        grid=grid,
        in_specs=[
            pl.BlockSpec((block_b, 2 * D), lambda i: (i, 0)),
            pl.BlockSpec((block_b, 2 * NG), lambda i: (i, 0)),
            pl.BlockSpec(memory_space=pltpu.SMEM),
            pl.BlockSpec(memory_space=pltpu.HBM),
            full((Q, 1)), full((NG, MP)), full((NG, D)),
            full((D, MP)), full((D, MP)), full((1, MP)), full((MP, 1)),
            full((1, 1)), full((3 * D, 8)),
            full((1, 8)), full((1, 8)), full((1, 1)),
        ],
        out_specs=pl.BlockSpec((1, block_b), lambda i: (0, i)),
        out_shape=jax.ShapeDtypeStruct((1, B), jnp.float32),
        scratch_shapes=[
            pltpu.VMEM((2 * NG, Q), jnp.float32),
            pltpu.VMEM((Q, D), jnp.float32),
            pltpu.VMEM((Q, MP), jnp.float32),
            pltpu.VMEM((Q, D), jnp.float32),
            pltpu.SemaphoreType.DMA,
        ],
        compiler_params=pltpu.CompilerParams(
            dimension_semantics=("arbitrary",)),
        interpret=interpret,
    )(item2, ohp, member_idx, user_embed, mask_mm, mask_gm, gemb,
      W1aT, W1bT, b1row, W2T, b2s, Wp, pb1row, Wp2row, pb2s)


def kernel(user_inputs, item_inputs, user_embed, item_embed, group_embed,
           att_W1, att_b1, att_W2, att_b2, pred_W1, pred_b1, pred_W2,
           pred_b2, member_table, member_mask):
    B = user_inputs.shape[0]
    Gn, M = member_table.shape
    tbl = jnp.zeros((NG, MP), jnp.int32).at[:Gn, :M].set(member_table)
    msk = jnp.zeros((NG, MP), jnp.float32).at[:Gn, :M].set(member_mask)
    member_idx = tbl.T.reshape(-1)
    mask_mm = msk.T.reshape(-1, 1)

    item_pairs = item_embed.reshape(-1, 2 * D)
    pair_idx2d = (item_inputs >> 1).reshape(B // IDX_CHUNK, IDX_CHUNK)
    item2 = _sc_gather(item_pairs, pair_idx2d, user_embed, B)

    oh = (user_inputs[:, None] == jnp.arange(NG, dtype=user_inputs.dtype))
    par = (item_inputs[:, None] & 1)
    ohp = jnp.concatenate(
        [oh.astype(jnp.float32), par.astype(jnp.float32),
         jnp.zeros((B, NG - 1), jnp.float32)], axis=1)

    W1aT = att_W1[:, :D].T
    W1bT = att_W1[:, D:].T
    preds = _tc_main(
        item2, ohp, member_idx, user_embed, mask_mm, msk, group_embed,
        W1aT, W1bT, att_b1.reshape(1, MP), att_W2.T, att_b2.reshape(1, 1),
        pred_W1.T, pred_b1.reshape(1, 8), pred_W2.reshape(1, 8),
        pred_b2.reshape(1, 1), block_b=4096)
    return preds.reshape(B, 1)

# --- scband reference (transcript-rebuilt; emitter-appended) ---
"""Pipeline reference for scband-agree-1769526526109 (READ-ONLY COPY).

The authoritative reference and input builder live on the scoring server;
editing this copy changes nothing except your own understanding.
"""

import jax, jax.numpy as jnp
import numpy as np

GROUP_MEMBERS = [[3,17,845,12345,67890,99999],[101,202,303,404],[555,666,777,888,999,1111,2222],[12,34,56,78,90,123,456,789,1011,1213],[5000,6000,7000,8000,9000],[11111,22222,33333,44444],[1,2,3,4,5,6,7,8],[98765,87654,76543,65432,54321,43210],[13579,24680,11223,44556,77889],[100,200,300,400,500,600,700],[42,4242,424,24,2424,4224,2442,4422,2244],[9999,8888,7777,6666],[15000,25000,35000,45000,55000,65000],[321,654,987,1234,4321],[10,20,30,40,50,60,70,80,90,99],[31415,92653,58979,32384,62643,38327,95028]]
NUM_USERS = 100000
NUM_ITEMS = 100000
NUM_GROUPS = 16
D = 64
LMD = 0.5
B = 16384


def _pad_members():
    mx = max(len(g) for g in GROUP_MEMBERS)
    tbl = np.zeros((len(GROUP_MEMBERS), mx), dtype=np.int32)
    msk = np.zeros((len(GROUP_MEMBERS), mx), dtype=np.float32)
    for i, g in enumerate(GROUP_MEMBERS):
        tbl[i, :len(g)] = np.asarray(g, dtype=np.int32)
        msk[i, :len(g)] = 1.0
    return jnp.asarray(tbl), jnp.asarray(msk)


def setup_inputs(seed: int = 0):
    key = jax.random.key(seed)
    ks = jax.random.split(key, 16)
    member_table, member_mask = _pad_members()
    return {
        'user_inputs': jax.random.randint(ks[0], (B,), 0, NUM_GROUPS, dtype=jnp.int32),
        'item_inputs': jax.random.randint(ks[1], (B,), 0, NUM_ITEMS, dtype=jnp.int32),
        'user_embed': jax.random.normal(ks[2], (NUM_USERS, D), dtype=jnp.float32) * 0.05,
        'item_embed': jax.random.normal(ks[3], (NUM_ITEMS, D), dtype=jnp.float32) * 0.05,
        'group_embed': jax.random.normal(ks[4], (NUM_GROUPS, D), dtype=jnp.float32) * 0.05,
        'att_W1': jax.random.normal(ks[5], (16, 2 * D), dtype=jnp.float32) * 0.05,
        'att_b1': jnp.zeros((16,), dtype=jnp.float32),
        'att_W2': jax.random.normal(ks[6], (1, 16), dtype=jnp.float32) * 0.05,
        'att_b2': jnp.zeros((1,), dtype=jnp.float32),
        'pred_W1': jax.random.normal(ks[7], (8, 3 * D), dtype=jnp.float32) * 0.05,
        'pred_b1': jnp.zeros((8,), dtype=jnp.float32),
        'pred_W2': jax.random.normal(ks[8], (1, 8), dtype=jnp.float32) * 0.05,
        'pred_b2': jnp.zeros((1,), dtype=jnp.float32),
        'member_table': member_table,
        'member_mask': member_mask,
    }


def reference(user_inputs, item_inputs, user_embed, item_embed, group_embed, att_W1, att_b1, att_W2, att_b2, pred_W1, pred_b1, pred_W2, pred_b2, member_table, member_mask):
    # type_m == 'group' branch of AGREE.forward
    item_full = jnp.take(item_embed, item_inputs, axis=0)          # [B, D]
    group_full = jnp.take(group_embed, user_inputs, axis=0)        # [B, D]
    menb_ids = jnp.take(member_table, user_inputs, axis=0)         # [B, M]
    mask = jnp.take(member_mask, user_inputs, axis=0)              # [B, M]
    item_ids = jnp.where(mask > 0, item_inputs[:, None], 0)        # [B, M]
    menb_emb = jnp.take(user_embed, menb_ids, axis=0) * mask[..., None]   # [B, M, D]
    item_emb = jnp.take(item_embed, item_ids, axis=0) * mask[..., None]   # [B, M, D]
    mi = jnp.concatenate([menb_emb, item_emb], axis=-1)            # [B, M, 2D]
    h = jax.nn.relu(jnp.einsum('bmc,hc->bmh', mi, att_W1) + att_b1)
    logits = (jnp.einsum('bmh,oh->bmo', h, att_W2) + att_b2)[..., 0]
    logits = jnp.clip(logits, -50.0, 50.0)
    w = jnp.exp(logits) * mask
    w = w / jnp.sum(w, axis=-1, keepdims=True)
    g_att = jnp.einsum('bm,bmd->bd', w, menb_emb)
    g = LMD * g_att + group_full
    new = jnp.concatenate([g * item_full, g, item_full], axis=1)   # [B, 3D]
    hp = jax.nn.relu(new @ pred_W1.T + pred_b1)
    preds = hp @ pred_W2.T + pred_b2
    return preds


if False:  # reference __main__ guard neutralized (emitter)
    out = reference(**setup_inputs())
    print(out.shape)

if __name__ == "__main__":
    import jax
    _d = setup_inputs()
    print(jax.jit(kernel)(*tuple(_d.values())))

</pallas_src>

<mosaic_0001>
#map = affine_map<(d0, d1) -> (0, 0)>
module attributes {stable_mosaic.version = 14 : i64} {
  func.func @gather_k(%arg0: i32, %arg1: i32, %arg2: memref<50000x128xf32, #tpu.memory_space<hbm>>, %arg3: memref<128x128xi32, #tpu.memory_space<hbm>>, %arg4: memref<100000x64xf32, #tpu.memory_space<hbm>>, %arg5: memref<16384x128xf32, #tpu.memory_space<hbm>>, %arg6: memref<4x128xi32, #tpu.memory_space<vmem>>, %arg7: memref<512x128xf32, #tpu.memory_space<vmem>>, %arg8: memref<!tpu.dma_semaphore, #tpu.memory_space<semaphore_mem>>) attributes {dimension_semantics = [#tpu.dimension_semantics<core_parallel>, #tpu.dimension_semantics<subcore_parallel>], iteration_bounds = array<i64: 2, 16>, scalar_prefetch = 0 : i64, scratch_operands = 3 : i64, tpu.core_type = #tpu.core_type<sc_vector_subcore>, window_params = [{transform_indices = #map}, {transform_indices = #map}, {transform_indices = #map}, {transform_indices = #map}]} {
    %mul3A = arith.constant 2 : i32
    %mul3A_0 = arith.muli %arg1, %mul3A : i32
    %add3A = arith.addi %mul3A_0, %arg0 : i32
    %mul3A_1 = arith.constant 512 : i32
    %mul3A_2 = arith.muli %add3A, %mul3A_1 : i32
    %mul3A_3 = arith.constant 4 : i32
    %mul3A_4 = arith.muli %add3A, %mul3A_3 : i32
    "tpu.region"() ({
      %run_scoped3A = tpu.sem_alloc : memref<!tpu.dma_semaphore, #tpu.memory_space<semaphore_mem>>
      %dma_start3A_83 = arith.constant 0 : i32
      %dma_start3A_84 = tpu.memref_slice %arg3[%mul3A_4, %dma_start3A_83] : memref<128x128xi32, #tpu.memory_space<hbm>> -> memref<4x128xi32, #tpu.memory_space<hbm>>
      %dma_start3A_85 = arith.constant 0 : i32
      %dma_start3A_86 = tpu.memref_slice %arg3[%mul3A_4, %dma_start3A_85] : memref<128x128xi32, #tpu.memory_space<hbm>> -> memref<4x128xi32, #tpu.memory_space<hbm>>
      tpu.enqueue_dma source(%dma_start3A_86 : memref<4x128xi32, #tpu.memory_space<hbm>>) target(%arg6 : memref<4x128xi32, #tpu.memory_space<vmem>>) target_semaphore(%run_scoped3A : memref<!tpu.dma_semaphore, #tpu.memory_space<semaphore_mem>>)
      %dma_wait3A_87 = arith.constant 0 : i32
      %dma_wait3A_88 = tpu.memref_slice %arg3[%mul3A_4, %dma_wait3A_87] : memref<128x128xi32, #tpu.memory_space<hbm>> -> memref<4x128xi32, #tpu.memory_space<hbm>>
      %dma_wait3A_89 = arith.constant 0 : i32
      %dma_wait3A_90 = tpu.memref_slice %arg3[%mul3A_4, %dma_wait3A_89] : memref<128x128xi32, #tpu.memory_space<hbm>> -> memref<4x128xi32, #tpu.memory_space<hbm>>
      tpu.wait_dma2 semaphore(%run_scoped3A : memref<!tpu.dma_semaphore, #tpu.memory_space<semaphore_mem>>) src(%dma_wait3A_90 : memref<4x128xi32, #tpu.memory_space<hbm>>) dst(%arg6 : memref<4x128xi32, #tpu.memory_space<vmem>>)
      tpu.yield
    }) : () -> ()
    %dma_start3A = arith.constant 0 : i32
    %dma_start3A_5 = arith.constant 0 : i32
    %dma_start3A_6 = arith.constant 0 : i32
    %dma_start3A_7 = tpu.memref_slice %arg7[%dma_start3A_5, %dma_start3A_6] : memref<512x128xf32, #tpu.memory_space<vmem>> -> memref<128x128xf32, #tpu.memory_space<vmem>>
    %dma_start3A_8 = arith.constant 0 : i32
    %dma_start3A_9 = tpu.memref_slice %arg6[%dma_start3A, %dma_start3A_8] : memref<4x128xi32, #tpu.memory_space<vmem>> -> memref<1x128xi32, #tpu.memory_space<vmem>>
    %dma_start3A_10 = tpu.memref_squeeze %dma_start3A_9 : memref<1x128xi32, #tpu.memory_space<vmem>> -> memref<128xi32, #tpu.memory_space<vmem>>
    %dma_start3A_11 = arith.constant 0 : i32
    %dma_start3A_12 = arith.constant 0 : i32
    %dma_start3A_13 = tpu.memref_slice %arg2[%dma_start3A_11, %dma_start3A_12] : memref<50000x128xf32, #tpu.memory_space<hbm>> -> memref<50000x128xf32, #tpu.memory_space<hbm>>
    tpu.enqueue_indirect_dma source(%dma_start3A_13 : memref<50000x128xf32, #tpu.memory_space<hbm>>) target(%dma_start3A_7 : memref<128x128xf32, #tpu.memory_space<vmem>>) offsets(%dma_start3A_10 : memref<128xi32, #tpu.memory_space<vmem>>) semaphore(%arg8 : memref<!tpu.dma_semaphore, #tpu.memory_space<semaphore_mem>>)
    %dma_start3A_14 = arith.constant 1 : i32
    %dma_start3A_15 = arith.constant 128 : i32
    %dma_start3A_16 = arith.constant 0 : i32
    %dma_start3A_17 = tpu.memref_slice %arg7[%dma_start3A_15, %dma_start3A_16] : memref<512x128xf32, #tpu.memory_space<vmem>> -> memref<128x128xf32, #tpu.memory_space<vmem>>
    %dma_start3A_18 = arith.constant 0 : i32
    %dma_start3A_19 = tpu.memref_slice %arg6[%dma_start3A_14, %dma_start3A_18] : memref<4x128xi32, #tpu.memory_space<vmem>> -> memref<1x128xi32, #tpu.memory_space<vmem>>
    %dma_start3A_20 = tpu.memref_squeeze %dma_start3A_19 : memref<1x128xi32, #tpu.memory_space<vmem>> -> memref<128xi32, #tpu.memory_space<vmem>>
    %dma_start3A_21 = arith.constant 0 : i32
    %dma_start3A_22 = arith.constant 0 : i32
    %dma_start3A_23 = tpu.memref_slice %arg2[%dma_start3A_21, %dma_start3A_22] : memref<50000x128xf32, #tpu.memory_space<hbm>> -> memref<50000x128xf32, #tpu.memory_space<hbm>>
    tpu.enqueue_indirect_dma source(%dma_start3A_23 : memref<50000x128xf32, #tpu.memory_space<hbm>>) target(%dma_start3A_17 : memref<128x128xf32, #tpu.memory_space<vmem>>) offsets(%dma_start3A_20 : memref<128xi32, #tpu.memory_space<vmem>>) semaphore(%arg8 : memref<!tpu.dma_semaphore, #tpu.memory_space<semaphore_mem>>)
    %dma_start3A_24 = arith.constant 2 : i32
    %dma_start3A_25 = arith.constant 256 : i32
    %dma_start3A_26 = arith.constant 0 : i32
    %dma_start3A_27 = tpu.memref_slice %arg7[%dma_start3A_25, %dma_start3A_26] : memref<512x128xf32, #tpu.memory_space<vmem>> -> memref<128x128xf32, #tpu.memory_space<vmem>>
    %dma_start3A_28 = arith.constant 0 : i32
    %dma_start3A_29 = tpu.memref_slice %arg6[%dma_start3A_24, %dma_start3A_28] : memref<4x128xi32, #tpu.memory_space<vmem>> -> memref<1x128xi32, #tpu.memory_space<vmem>>
    %dma_start3A_30 = tpu.memref_squeeze %dma_start3A_29 : memref<1x128xi32, #tpu.memory_space<vmem>> -> memref<128xi32, #tpu.memory_space<vmem>>
    %dma_start3A_31 = arith.constant 0 : i32
    %dma_start3A_32 = arith.constant 0 : i32
    %dma_start3A_33 = tpu.memref_slice %arg2[%dma_start3A_31, %dma_start3A_32] : memref<50000x128xf32, #tpu.memory_space<hbm>> -> memref<50000x128xf32, #tpu.memory_space<hbm>>
    tpu.enqueue_indirect_dma source(%dma_start3A_33 : memref<50000x128xf32, #tpu.memory_space<hbm>>) target(%dma_start3A_27 : memref<128x128xf32, #tpu.memory_space<vmem>>) offsets(%dma_start3A_30 : memref<128xi32, #tpu.memory_space<vmem>>) semaphore(%arg8 : memref<!tpu.dma_semaphore, #tpu.memory_space<semaphore_mem>>)
    %dma_start3A_34 = arith.constant 3 : i32
    %dma_start3A_35 = arith.constant 384 : i32
    %dma_start3A_36 = arith.constant 0 : i32
    %dma_start3A_37 = tpu.memref_slice %arg7[%dma_start3A_35, %dma_start3A_36] : memref<512x128xf32, #tpu.memory_space<vmem>> -> memref<128x128xf32, #tpu.memory_space<vmem>>
    %dma_start3A_38 = arith.constant 0 : i32
    %dma_start3A_39 = tpu.memref_slice %arg6[%dma_start3A_34, %dma_start3A_38] : memref<4x128xi32, #tpu.memory_space<vmem>> -> memref<1x128xi32, #tpu.memory_space<vmem>>
    %dma_start3A_40 = tpu.memref_squeeze %dma_start3A_39 : memref<1x128xi32, #tpu.memory_space<vmem>> -> memref<128xi32, #tpu.memory_space<vmem>>
    %dma_start3A_41 = arith.constant 0 : i32
    %dma_start3A_42 = arith.constant 0 : i32
    %dma_start3A_43 = tpu.memref_slice %arg2[%dma_start3A_41, %dma_start3A_42] : memref<50000x128xf32, #tpu.memory_space<hbm>> -> memref<50000x128xf32, #tpu.memory_space<hbm>>
    tpu.enqueue_indirect_dma source(%dma_start3A_43 : memref<50000x128xf32, #tpu.memory_space<hbm>>) target(%dma_start3A_37 : memref<128x128xf32, #tpu.memory_space<vmem>>) offsets(%dma_start3A_40 : memref<128xi32, #tpu.memory_space<vmem>>) semaphore(%arg8 : memref<!tpu.dma_semaphore, #tpu.memory_space<semaphore_mem>>)
    %dma_wait3A = arith.constant 0 : i32
    %dma_wait3A_44 = arith.constant 0 : i32
    %dma_wait3A_45 = arith.constant 0 : i32
    %dma_wait3A_46 = tpu.memref_slice %arg7[%dma_wait3A_44, %dma_wait3A_45] : memref<512x128xf32, #tpu.memory_space<vmem>> -> memref<128x128xf32, #tpu.memory_space<vmem>>
    %dma_wait3A_47 = arith.constant 0 : i32
    %dma_wait3A_48 = tpu.memref_slice %arg6[%dma_wait3A, %dma_wait3A_47] : memref<4x128xi32, #tpu.memory_space<vmem>> -> memref<1x128xi32, #tpu.memory_space<vmem>>
    %dma_wait3A_49 = tpu.memref_squeeze %dma_wait3A_48 : memref<1x128xi32, #tpu.memory_space<vmem>> -> memref<128xi32, #tpu.memory_space<vmem>>
    %dma_wait3A_50 = arith.constant 0 : i32
    %dma_wait3A_51 = arith.constant 0 : i32
    %dma_wait3A_52 = tpu.memref_slice %arg2[%dma_wait3A_50, %dma_wait3A_51] : memref<50000x128xf32, #tpu.memory_space<hbm>> -> memref<50000x128xf32, #tpu.memory_space<hbm>>
    tpu.wait_indirect_dma semaphore(%arg8 : memref<!tpu.dma_semaphore, #tpu.memory_space<semaphore_mem>>) src(%dma_wait3A_52 : memref<50000x128xf32, #tpu.memory_space<hbm>>) dst(%dma_wait3A_46 : memref<128x128xf32, #tpu.memory_space<vmem>>)
    %dma_wait3A_53 = arith.constant 1 : i32
    %dma_wait3A_54 = arith.constant 128 : i32
    %dma_wait3A_55 = arith.constant 0 : i32
    %dma_wait3A_56 = tpu.memref_slice %arg7[%dma_wait3A_54, %dma_wait3A_55] : memref<512x128xf32, #tpu.memory_space<vmem>> -> memref<128x128xf32, #tpu.memory_space<vmem>>
    %dma_wait3A_57 = arith.constant 0 : i32
    %dma_wait3A_58 = tpu.memref_slice %arg6[%dma_wait3A_53, %dma_wait3A_57] : memref<4x128xi32, #tpu.memory_space<vmem>> -> memref<1x128xi32, #tpu.memory_space<vmem>>
    %dma_wait3A_59 = tpu.memref_squeeze %dma_wait3A_58 : memref<1x128xi32, #tpu.memory_space<vmem>> -> memref<128xi32, #tpu.memory_space<vmem>>
    %dma_wait3A_60 = arith.constant 0 : i32
    %dma_wait3A_61 = arith.constant 0 : i32
    %dma_wait3A_62 = tpu.memref_slice %arg2[%dma_wait3A_60, %dma_wait3A_61] : memref<50000x128xf32, #tpu.memory_space<hbm>> -> memref<50000x128xf32, #tpu.memory_space<hbm>>
    tpu.wait_indirect_dma semaphore(%arg8 : memref<!tpu.dma_semaphore, #tpu.memory_space<semaphore_mem>>) src(%dma_wait3A_62 : memref<50000x128xf32, #tpu.memory_space<hbm>>) dst(%dma_wait3A_56 : memref<128x128xf32, #tpu.memory_space<vmem>>)
    %dma_wait3A_63 = arith.constant 2 : i32
    %dma_wait3A_64 = arith.constant 256 : i32
    %dma_wait3A_65 = arith.constant 0 : i32
    %dma_wait3A_66 = tpu.memref_slice %arg7[%dma_wait3A_64, %dma_wait3A_65] : memref<512x128xf32, #tpu.memory_space<vmem>> -> memref<128x128xf32, #tpu.memory_space<vmem>>
    %dma_wait3A_67 = arith.constant 0 : i32
    %dma_wait3A_68 = tpu.memref_slice %arg6[%dma_wait3A_63, %dma_wait3A_67] : memref<4x128xi32, #tpu.memory_space<vmem>> -> memref<1x128xi32, #tpu.memory_space<vmem>>
    %dma_wait3A_69 = tpu.memref_squeeze %dma_wait3A_68 : memref<1x128xi32, #tpu.memory_space<vmem>> -> memref<128xi32, #tpu.memory_space<vmem>>
    %dma_wait3A_70 = arith.constant 0 : i32
    %dma_wait3A_71 = arith.constant 0 : i32
    %dma_wait3A_72 = tpu.memref_slice %arg2[%dma_wait3A_70, %dma_wait3A_71] : memref<50000x128xf32, #tpu.memory_space<hbm>> -> memref<50000x128xf32, #tpu.memory_space<hbm>>
    tpu.wait_indirect_dma semaphore(%arg8 : memref<!tpu.dma_semaphore, #tpu.memory_space<semaphore_mem>>) src(%dma_wait3A_72 : memref<50000x128xf32, #tpu.memory_space<hbm>>) dst(%dma_wait3A_66 : memref<128x128xf32, #tpu.memory_space<vmem>>)
    %dma_wait3A_73 = arith.constant 3 : i32
    %dma_wait3A_74 = arith.constant 384 : i32
    %dma_wait3A_75 = arith.constant 0 : i32
    %dma_wait3A_76 = tpu.memref_slice %arg7[%dma_wait3A_74, %dma_wait3A_75] : memref<512x128xf32, #tpu.memory_space<vmem>> -> memref<128x128xf32, #tpu.memory_space<vmem>>
    %dma_wait3A_77 = arith.constant 0 : i32
    %dma_wait3A_78 = tpu.memref_slice %arg6[%dma_wait3A_73, %dma_wait3A_77] : memref<4x128xi32, #tpu.memory_space<vmem>> -> memref<1x128xi32, #tpu.memory_space<vmem>>
    %dma_wait3A_79 = tpu.memref_squeeze %dma_wait3A_78 : memref<1x128xi32, #tpu.memory_space<vmem>> -> memref<128xi32, #tpu.memory_space<vmem>>
    %dma_wait3A_80 = arith.constant 0 : i32
    %dma_wait3A_81 = arith.constant 0 : i32
    %dma_wait3A_82 = tpu.memref_slice %arg2[%dma_wait3A_80, %dma_wait3A_81] : memref<50000x128xf32, #tpu.memory_space<hbm>> -> memref<50000x128xf32, #tpu.memory_space<hbm>>
    tpu.wait_indirect_dma semaphore(%arg8 : memref<!tpu.dma_semaphore, #tpu.memory_space<semaphore_mem>>) src(%dma_wait3A_82 : memref<50000x128xf32, #tpu.memory_space<hbm>>) dst(%dma_wait3A_76 : memref<128x128xf32, #tpu.memory_space<vmem>>)
    "tpu.region"() ({
      %run_scoped3A = tpu.sem_alloc : memref<!tpu.dma_semaphore, #tpu.memory_space<semaphore_mem>>
      %dma_start3A_83 = arith.constant 0 : i32
      %dma_start3A_84 = tpu.memref_slice %arg5[%mul3A_2, %dma_start3A_83] : memref<16384x128xf32, #tpu.memory_space<hbm>> -> memref<512x128xf32, #tpu.memory_space<hbm>>
      %dma_start3A_85 = arith.constant 0 : i32
      %dma_start3A_86 = tpu.memref_slice %arg5[%mul3A_2, %dma_start3A_85] : memref<16384x128xf32, #tpu.memory_space<hbm>> -> memref<512x128xf32, #tpu.memory_space<hbm>>
      tpu.enqueue_dma source(%arg7 : memref<512x128xf32, #tpu.memory_space<vmem>>) target(%dma_start3A_86 : memref<512x128xf32, #tpu.memory_space<hbm>>) target_semaphore(%run_scoped3A : memref<!tpu.dma_semaphore, #tpu.memory_space<semaphore_mem>>)
      %dma_wait3A_87 = arith.constant 0 : i32
      %dma_wait3A_88 = tpu.memref_slice %arg5[%mul3A_2, %dma_wait3A_87] : memref<16384x128xf32, #tpu.memory_space<hbm>> -> memref<512x128xf32, #tpu.memory_space<hbm>>
      %dma_wait3A_89 = arith.constant 0 : i32
      %dma_wait3A_90 = tpu.memref_slice %arg5[%mul3A_2, %dma_wait3A_89] : memref<16384x128xf32, #tpu.memory_space<hbm>> -> memref<512x128xf32, #tpu.memory_space<hbm>>
      tpu.wait_dma2 semaphore(%run_scoped3A : memref<!tpu.dma_semaphore, #tpu.memory_space<semaphore_mem>>) src(%arg7 : memref<512x128xf32, #tpu.memory_space<vmem>>) dst(%dma_wait3A_90 : memref<512x128xf32, #tpu.memory_space<hbm>>)
      tpu.yield
    }) : () -> ()
    return
  }
}

module attributes {stable_mosaic.version = 14 : i64} {
  func.func @_tc_body(%arg0: i32, %arg1: memref<4096x128xf32, #tpu.memory_space<vmem>>, %arg2: memref<4096x32xf32, #tpu.memory_space<vmem>>, %arg3: memref<256xi32, #tpu.memory_space<smem>>, %arg4: memref<100000x64xf32, #tpu.memory_space<hbm>>, %arg5: memref<256x1xf32, #tpu.memory_space<vmem>>, %arg6: memref<16x16xf32, #tpu.memory_space<vmem>>, %arg7: memref<16x64xf32, #tpu.memory_space<vmem>>, %arg8: memref<64x16xf32, #tpu.memory_space<vmem>>, %arg9: memref<64x16xf32, #tpu.memory_space<vmem>>, %arg10: memref<1x16xf32, #tpu.memory_space<vmem>>, %arg11: memref<16x1xf32, #tpu.memory_space<vmem>>, %arg12: memref<1x1xf32, #tpu.memory_space<vmem>>, %arg13: memref<192x8xf32, #tpu.memory_space<vmem>>, %arg14: memref<1x8xf32, #tpu.memory_space<vmem>>, %arg15: memref<1x8xf32, #tpu.memory_space<vmem>>, %arg16: memref<1x1xf32, #tpu.memory_space<vmem>>, %arg17: memref<1x4096xf32, #tpu.memory_space<vmem>>, %arg18: memref<32x256xf32, #tpu.memory_space<vmem>>, %arg19: memref<256x64xf32, #tpu.memory_space<vmem>>, %arg20: memref<256x16xf32, #tpu.memory_space<vmem>>, %arg21: memref<256x64xf32, #tpu.memory_space<vmem>>, %arg22: memref<!tpu.dma_semaphore, #tpu.memory_space<semaphore_mem>>) attributes {dimension_semantics = [#tpu.dimension_semantics<arbitrary>], iteration_bounds = array<i64: 4>, scalar_prefetch = 0 : i64, scratch_operands = 5 : i64, tpu.core_type = #tpu.core_type<tc>, window_params = [{transform_indices = @transform_0, window_bounds = array<i64: 4096, 128>}, {transform_indices = @transform_1, window_bounds = array<i64: 4096, 32>}, {transform_indices = @transform_2, window_bounds = array<i64: 256>}, {}, {pipeline_mode = #tpu.pipeline_mode<synchronous>, transform_indices = @transform_4, window_bounds = array<i64: 256, 1>}, {pipeline_mode = #tpu.pipeline_mode<synchronous>, transform_indices = @transform_5, window_bounds = array<i64: 16, 16>}, {pipeline_mode = #tpu.pipeline_mode<synchronous>, transform_indices = @transform_6, window_bounds = array<i64: 16, 64>}, {pipeline_mode = #tpu.pipeline_mode<synchronous>, transform_indices = @transform_7, window_bounds = array<i64: 64, 16>}, {pipeline_mode = #tpu.pipeline_mode<synchronous>, transform_indices = @transform_8, window_bounds = array<i64: 64, 16>}, {pipeline_mode = #tpu.pipeline_mode<synchronous>, transform_indices = @transform_9, window_bounds = array<i64: 1, 16>}, {pipeline_mode = #tpu.pipeline_mode<synchronous>, transform_indices = @transform_10, window_bounds = array<i64: 16, 1>}, {pipeline_mode = #tpu.pipeline_mode<synchronous>, transform_indices = @transform_11, window_bounds = array<i64: 1, 1>}, {pipeline_mode = #tpu.pipeline_mode<synchronous>, transform_indices = @transform_12, window_bounds = array<i64: 192, 8>}, {pipeline_mode = #tpu.pipeline_mode<synchronous>, transform_indices = @transform_13, window_bounds = array<i64: 1, 8>}, {pipeline_mode = #tpu.pipeline_mode<synchronous>, transform_indices = @transform_14, window_bounds = array<i64: 1, 8>}, {pipeline_mode = #tpu.pipeline_mode<synchronous>, transform_indices = @transform_15, window_bounds = array<i64: 1, 1>}, {transform_indices = @transform_16, window_bounds = array<i64: 1, 4096>}]} {
    %eq3A = arith.constant 0 : i32
    %eq3A_0 = arith.cmpi eq, %arg0, %eq3A : i32
    %convert_element_type3A = arith.extui %eq3A_0 : i1 to i32
    %cond3A = arith.constant 0 : i32
    %cond3A_1 = arith.cmpi ne, %convert_element_type3A, %cond3A : i32
    scf.if %cond3A_1 {
      %scan3A = arith.constant 0 : i32
      %scan3A_150 = arith.constant 256 : i32
      %scan3A_151 = arith.addi %scan3A, %scan3A_150 : i32
      %scan3A_152 = arith.constant 1 : i32
      scf.for %scan3A_1335 = %scan3A to %scan3A_151 step %scan3A_152  : i32 {
        %get3A_1336 = arith.index_cast %scan3A_1335 : i32 to index
        %get3A_1337 = memref.load %arg3[%get3A_1336] : memref<256xi32, #tpu.memory_space<smem>>
        %dma_start3A = arith.constant 0 : i32
        %dma_start3A_1338 = tpu.memref_slice %arg21[%scan3A_1335, %dma_start3A] : memref<256x64xf32, #tpu.memory_space<vmem>> -> memref<1x64xf32, #tpu.memory_space<vmem>>
        %dma_start3A_1339 = arith.constant 0 : i32
        %dma_start3A_1340 = tpu.memref_slice %arg4[%get3A_1337, %dma_start3A_1339] : memref<100000x64xf32, #tpu.memory_space<hbm>> -> memref<1x64xf32, #tpu.memory_space<hbm>>
        tpu.enqueue_dma source(%dma_start3A_1340 : memref<1x64xf32, #tpu.memory_space<hbm>>) target(%dma_start3A_1338 : memref<1x64xf32, #tpu.memory_space<vmem>>) target_semaphore(%arg22 : memref<!tpu.dma_semaphore, #tpu.memory_space<semaphore_mem>>)
      }
      %scan3A_153 = arith.constant 256 : i32
      %scan3A_154 = arith.constant 0 : i32
      %scan3A_155 = arith.constant 256 : i32
      %scan3A_156 = arith.addi %scan3A_154, %scan3A_155 : i32
      %scan3A_157 = arith.constant 1 : i32
      scf.for %scan3A_1335 = %scan3A_154 to %scan3A_156 step %scan3A_157  : i32 {
        %get3A_1336 = arith.index_cast %scan3A_1335 : i32 to index
        %get3A_1337 = memref.load %arg3[%get3A_1336] : memref<256xi32, #tpu.memory_space<smem>>
        %dma_wait3A = arith.constant 0 : i32
        %dma_wait3A_1338 = tpu.memref_slice %arg21[%scan3A_1335, %dma_wait3A] : memref<256x64xf32, #tpu.memory_space<vmem>> -> memref<1x64xf32, #tpu.memory_space<vmem>>
        %dma_wait3A_1339 = arith.constant 0 : i32
        %dma_wait3A_1340 = tpu.memref_slice %arg4[%get3A_1337, %dma_wait3A_1339] : memref<100000x64xf32, #tpu.memory_space<hbm>> -> memref<1x64xf32, #tpu.memory_space<hbm>>
        tpu.wait_dma2 semaphore(%arg22 : memref<!tpu.dma_semaphore, #tpu.memory_space<semaphore_mem>>) src(%dma_wait3A_1340 : memref<1x64xf32, #tpu.memory_space<hbm>>) dst(%dma_wait3A_1338 : memref<1x64xf32, #tpu.memory_space<vmem>>)
      }
      %scan3A_158 = arith.constant 256 : i32
      %get3A_159 = arith.constant 0 : index
      %get3A_160 = arith.constant 0 : index
      %get3A_161 = vector.load %arg21[%get3A_159, %get3A_160] : memref<256x64xf32, #tpu.memory_space<vmem>>, vector<256x64xf32>
      %get3A_162 = arith.constant 0 : index
      %get3A_163 = arith.constant 0 : index
      %get3A_164 = vector.load %arg5[%get3A_162, %get3A_163] : memref<256x1xf32, #tpu.memory_space<vmem>>, vector<256x1xf32>
      %mul3A_165 = vector.broadcast %get3A_164 : vector<256x1xf32> to vector<256x64xf32>
      %mul3A_166 = arith.mulf %get3A_161, %mul3A_165 : vector<256x64xf32>
      %swap3A_167 = arith.constant 0 : index
      %swap3A_168 = arith.constant 0 : index
      %swap3A_169 = vector.load %arg19[%swap3A_167, %swap3A_168] : memref<256x64xf32, #tpu.memory_space<vmem>>, vector<256x64xf32>
      tpu.vector_store %arg19[%swap3A_167, %swap3A_168], %mul3A_166 {strides = array<i32>} : memref<256x64xf32, #tpu.memory_space<vmem>>, vector<256x64xf32>,
      %get3A_170 = arith.constant 0 : index
      %get3A_171 = arith.constant 0 : index
      %get3A_172 = vector.load %arg8[%get3A_170, %get3A_171] : memref<64x16xf32, #tpu.memory_space<vmem>>, vector<64x16xf32>
      %iota3A_173 = tpu.iota {dimensions = array<i32: 1>} : vector<16x256xi32>
      %iota3A_174 = tpu.iota {dimensions = array<i32: 0>} : vector<16x256xi32>
      %broadcast_in_dim3A_175 = arith.constant 0.000000e+00 : f32
      %broadcast_in_dim3A_176 = vector.broadcast %broadcast_in_dim3A_175 : f32 to vector<16x256xf32>
      %slice3A_177 = vector.extract_strided_slice %mul3A_166 {offsets = [0, 0], sizes = [16, 64], strides = [1, 1]} : vector<256x64xf32> to vector<16x64xf32>
      %dot_general3A_178 = arith.constant dense<0.000000e+00> : vector<16x16xf32>
      %dot_general3A_179 = tpu.matmul %slice3A_177, %get3A_172, %dot_general3A_178 {dimension_numbers = #tpu.dot_dimension_numbers<[1], [0], [0], [1], [0, 0, 1, 1], [], []>, transpose_lhs_hint = false} : vector<16x64xf32>, vector<64x16xf32>, vector<16x16xf32> -> vector<16x16xf32>
      %jit3A_180 = arith.constant 16 : i32
      %div3A_181 = vector.broadcast %jit3A_180 : i32 to vector<16x256xi32>
      %div3A_182 = arith.divsi %iota3A_173, %div3A_181 : vector<16x256xi32>
      %sign3A_183 = arith.constant 0 : i32
      %sign3A_184 = vector.broadcast %sign3A_183 : i32 to vector<16x256xi32>
      %sign3A_185 = arith.cmpi sgt, %iota3A_173, %sign3A_184 : vector<16x256xi32>
      %sign3A_186 = arith.extui %sign3A_185 : vector<16x256xi1> to vector<16x256xi32>
      %sign3A_187 = arith.constant 0 : i32
      %sign3A_188 = vector.broadcast %sign3A_187 : i32 to vector<16x256xi32>
      %sign3A_189 = arith.cmpi slt, %iota3A_173, %sign3A_188 : vector<16x256xi32>
      %sign3A_190 = arith.extui %sign3A_189 : vector<16x256xi1> to vector<16x256xi32>
      %sign3A_191 = arith.subi %sign3A_186, %sign3A_190 : vector<16x256xi32>
      %sign3A_192 = arith.constant 0 : i32
      %sign3A_193 = arith.cmpi sgt, %jit3A_180, %sign3A_192 : i32
      %sign3A_194 = arith.extui %sign3A_193 : i1 to i32
      %sign3A_195 = arith.constant 0 : i32
      %sign3A_196 = arith.cmpi slt, %jit3A_180, %sign3A_195 : i32
      %sign3A_197 = arith.extui %sign3A_196 : i1 to i32
      %sign3A_198 = arith.subi %sign3A_194, %sign3A_197 : i32
      %ne3A_199 = vector.broadcast %sign3A_198 : i32 to vector<16x256xi32>
      %ne3A_200 = arith.cmpi ne, %sign3A_191, %ne3A_199 : vector<16x256xi32>
      %rem3A_201 = vector.broadcast %jit3A_180 : i32 to vector<16x256xi32>
      %rem3A_202 = arith.remsi %iota3A_173, %rem3A_201 : vector<16x256xi32>
      %ne3A_203 = arith.constant 0 : i32
      %ne3A_204 = vector.broadcast %ne3A_203 : i32 to vector<16x256xi32>
      %ne3A_205 = arith.cmpi ne, %rem3A_202, %ne3A_204 : vector<16x256xi32>
      %and3A_206 = arith.andi %ne3A_200, %ne3A_205 : vector<16x256xi1>
      %sub3A_207 = arith.constant 1 : i32
      %sub3A_208 = vector.broadcast %sub3A_207 : i32 to vector<16x256xi32>
      %sub3A_209 = arith.subi %div3A_182, %sub3A_208 : vector<16x256xi32>
      %select_n3A_210 = arith.select %and3A_206, %sub3A_209, %div3A_182 : vector<16x256xi1>, vector<16x256xi32>
      %eq3A_211 = arith.constant 0 : i32
      %eq3A_212 = vector.broadcast %eq3A_211 : i32 to vector<16x256xi32>
      %eq3A_213 = arith.cmpi eq, %select_n3A_210, %eq3A_212 : vector<16x256xi32>
      %jit3A_214 = arith.constant 16 : i32
      %eq3A_215 = arith.constant 0 : i32
      %eq3A_216 = arith.cmpi eq, %jit3A_214, %eq3A_215 : i32
      %jit3A_217 = arith.constant 1 : i32
      %select_n3A_218 = arith.select %eq3A_216, %jit3A_217, %jit3A_214 : i32
      %rem3A_219 = vector.broadcast %select_n3A_218 : i32 to vector<16x256xi32>
      %rem3A_220 = arith.remsi %iota3A_173, %rem3A_219 : vector<16x256xi32>
      %ne3A_221 = arith.constant 0 : i32
      %ne3A_222 = vector.broadcast %ne3A_221 : i32 to vector<16x256xi32>
      %ne3A_223 = arith.cmpi ne, %rem3A_220, %ne3A_222 : vector<16x256xi32>
      %lt3A_224 = arith.constant 0 : i32
      %lt3A_225 = vector.broadcast %lt3A_224 : i32 to vector<16x256xi32>
      %lt3A_226 = arith.cmpi slt, %rem3A_220, %lt3A_225 : vector<16x256xi32>
      %lt3A_227 = arith.constant 0 : i32
      %lt3A_228 = arith.cmpi slt, %select_n3A_218, %lt3A_227 : i32
      %ne3A_229 = vector.broadcast %lt3A_228 : i1 to vector<16x256xi1>
      %ne3A_230 = vector.broadcast %ne3A_229 : vector<16x256xi1> to vector<16x256xi1>
      %ne3A_231 = arith.xori %lt3A_226, %ne3A_230 : vector<16x256xi1>
      %and3A_232 = arith.andi %ne3A_231, %ne3A_223 : vector<16x256xi1>
      %add3A_233 = vector.broadcast %select_n3A_218 : i32 to vector<16x256xi32>
      %add3A_234 = arith.addi %rem3A_220, %add3A_233 : vector<16x256xi32>
      %select_n3A_235 = arith.select %and3A_232, %add3A_234, %rem3A_220 : vector<16x256xi1>, vector<16x256xi32>
      %eq3A_236 = arith.cmpi eq, %select_n3A_235, %iota3A_174 : vector<16x256xi32>
      %and3A_237 = arith.andi %eq3A_213, %eq3A_236 : vector<16x256xi1>
      %convert_element_type3A_238 = arith.extui %and3A_237 : vector<16x256xi1> to vector<16x256xi32>
      %convert_element_type3A_239 = arith.sitofp %convert_element_type3A_238 : vector<16x256xi32> to vector<16x256xf32>
      %dot_general3A_240 = arith.constant dense<0.000000e+00> : vector<16x256xf32>
      %dot_general3A_241 = tpu.matmul %dot_general3A_179, %convert_element_type3A_239, %dot_general3A_240 {dimension_numbers = #tpu.dot_dimension_numbers<[1], [0], [0], [1], [0, 0, 1, 1], [], []>, transpose_lhs_hint = false} : vector<16x16xf32>, vector<16x256xf32>, vector<16x256xf32> -> vector<16x256xf32>
      %add3A_242 = arith.addf %broadcast_in_dim3A_176, %dot_general3A_241 : vector<16x256xf32>
      %slice3A_243 = vector.extract_strided_slice %mul3A_166 {offsets = [16, 0], sizes = [16, 64], strides = [1, 1]} : vector<256x64xf32> to vector<16x64xf32>
      %dot_general3A_244 = arith.constant dense<0.000000e+00> : vector<16x16xf32>
      %dot_general3A_245 = tpu.matmul %slice3A_243, %get3A_172, %dot_general3A_244 {dimension_numbers = #tpu.dot_dimension_numbers<[1], [0], [0], [1], [0, 0, 1, 1], [], []>, transpose_lhs_hint = false} : vector<16x64xf32>, vector<64x16xf32>, vector<16x16xf32> -> vector<16x16xf32>
      %jit3A_246 = arith.constant 16 : i32
      %div3A_247 = vector.broadcast %jit3A_246 : i32 to vector<16x256xi32>
      %div3A_248 = arith.divsi %iota3A_173, %div3A_247 : vector<16x256xi32>
      %sign3A_249 = arith.constant 0 : i32
      %sign3A_250 = vector.broadcast %sign3A_249 : i32 to vector<16x256xi32>
      %sign3A_251 = arith.cmpi sgt, %iota3A_173, %sign3A_250 : vector<16x256xi32>
      %sign3A_252 = arith.extui %sign3A_251 : vector<16x256xi1> to vector<16x256xi32>
      %sign3A_253 = arith.constant 0 : i32
      %sign3A_254 = vector.broadcast %sign3A_253 : i32 to vector<16x256xi32>
      %sign3A_255 = arith.cmpi slt, %iota3A_173, %sign3A_254 : vector<16x256xi32>
      %sign3A_256 = arith.extui %sign3A_255 : vector<16x256xi1> to vector<16x256xi32>
      %sign3A_257 = arith.subi %sign3A_252, %sign3A_256 : vector<16x256xi32>
      %sign3A_258 = arith.constant 0 : i32
      %sign3A_259 = arith.cmpi sgt, %jit3A_246, %sign3A_258 : i32
      %sign3A_260 = arith.extui %sign3A_259 : i1 to i32
      %sign3A_261 = arith.constant 0 : i32
      %sign3A_262 = arith.cmpi slt, %jit3A_246, %sign3A_261 : i32
      %sign3A_263 = arith.extui %sign3A_262 : i1 to i32
      %sign3A_264 = arith.subi %sign3A_260, %sign3A_263 : i32
      %ne3A_265 = vector.broadcast %sign3A_264 : i32 to vector<16x256xi32>
      %ne3A_266 = arith.cmpi ne, %sign3A_257, %ne3A_265 : vector<16x256xi32>
      %rem3A_267 = vector.broadcast %jit3A_246 : i32 to vector<16x256xi32>
      %rem3A_268 = arith.remsi %iota3A_173, %rem3A_267 : vector<16x256xi32>
      %ne3A_269 = arith.constant 0 : i32
      %ne3A_270 = vector.broadcast %ne3A_269 : i32 to vector<16x256xi32>
      %ne3A_271 = arith.cmpi ne, %rem3A_268, %ne3A_270 : vector<16x256xi32>
      %and3A_272 = arith.andi %ne3A_266, %ne3A_271 : vector<16x256xi1>
      %sub3A_273 = arith.constant 1 : i32
      %sub3A_274 = vector.broadcast %sub3A_273 : i32 to vector<16x256xi32>
      %sub3A_275 = arith.subi %div3A_248, %sub3A_274 : vector<16x256xi32>
      %select_n3A_276 = arith.select %and3A_272, %sub3A_275, %div3A_248 : vector<16x256xi1>, vector<16x256xi32>
      %eq3A_277 = arith.constant 1 : i32
      %eq3A_278 = vector.broadcast %eq3A_277 : i32 to vector<16x256xi32>
      %eq3A_279 = arith.cmpi eq, %select_n3A_276, %eq3A_278 : vector<16x256xi32>
      %jit3A_280 = arith.constant 16 : i32
      %eq3A_281 = arith.constant 0 : i32
      %eq3A_282 = arith.cmpi eq, %jit3A_280, %eq3A_281 : i32
      %jit3A_283 = arith.constant 1 : i32
      %select_n3A_284 = arith.select %eq3A_282, %jit3A_283, %jit3A_280 : i32
      %rem3A_285 = vector.broadcast %select_n3A_284 : i32 to vector<16x256xi32>
      %rem3A_286 = arith.remsi %iota3A_173, %rem3A_285 : vector<16x256xi32>
      %ne3A_287 = arith.constant 0 : i32
      %ne3A_288 = vector.broadcast %ne3A_287 : i32 to vector<16x256xi32>
      %ne3A_289 = arith.cmpi ne, %rem3A_286, %ne3A_288 : vector<16x256xi32>
      %lt3A_290 = arith.constant 0 : i32
      %lt3A_291 = vector.broadcast %lt3A_290 : i32 to vector<16x256xi32>
      %lt3A_292 = arith.cmpi slt, %rem3A_286, %lt3A_291 : vector<16x256xi32>
      %lt3A_293 = arith.constant 0 : i32
      %lt3A_294 = arith.cmpi slt, %select_n3A_284, %lt3A_293 : i32
      %ne3A_295 = vector.broadcast %lt3A_294 : i1 to vector<16x256xi1>
      %ne3A_296 = vector.broadcast %ne3A_295 : vector<16x256xi1> to vector<16x256xi1>
      %ne3A_297 = arith.xori %lt3A_292, %ne3A_296 : vector<16x256xi1>
      %and3A_298 = arith.andi %ne3A_297, %ne3A_289 : vector<16x256xi1>
      %add3A_299 = vector.broadcast %select_n3A_284 : i32 to vector<16x256xi32>
      %add3A_300 = arith.addi %rem3A_286, %add3A_299 : vector<16x256xi32>
      %select_n3A_301 = arith.select %and3A_298, %add3A_300, %rem3A_286 : vector<16x256xi1>, vector<16x256xi32>
      %eq3A_302 = arith.cmpi eq, %select_n3A_301, %iota3A_174 : vector<16x256xi32>
      %and3A_303 = arith.andi %eq3A_279, %eq3A_302 : vector<16x256xi1>
      %convert_element_type3A_304 = arith.extui %and3A_303 : vector<16x256xi1> to vector<16x256xi32>
      %convert_element_type3A_305 = arith.sitofp %convert_element_type3A_304 : vector<16x256xi32> to vector<16x256xf32>
      %dot_general3A_306 = arith.constant dense<0.000000e+00> : vector<16x256xf32>
      %dot_general3A_307 = tpu.matmul %dot_general3A_245, %convert_element_type3A_305, %dot_general3A_306 {dimension_numbers = #tpu.dot_dimension_numbers<[1], [0], [0], [1], [0, 0, 1, 1], [], []>, transpose_lhs_hint = false} : vector<16x16xf32>, vector<16x256xf32>, vector<16x256xf32> -> vector<16x256xf32>
      %add3A_308 = arith.addf %add3A_242, %dot_general3A_307 : vector<16x256xf32>
      %slice3A_309 = vector.extract_strided_slice %mul3A_166 {offsets = [32, 0], sizes = [16, 64], strides = [1, 1]} : vector<256x64xf32> to vector<16x64xf32>
      %dot_general3A_310 = arith.constant dense<0.000000e+00> : vector<16x16xf32>
      %dot_general3A_311 = tpu.matmul %slice3A_309, %get3A_172, %dot_general3A_310 {dimension_numbers = #tpu.dot_dimension_numbers<[1], [0], [0], [1], [0, 0, 1, 1], [], []>, transpose_lhs_hint = false} : vector<16x64xf32>, vector<64x16xf32>, vector<16x16xf32> -> vector<16x16xf32>
      %jit3A_312 = arith.constant 16 : i32
      %div3A_313 = vector.broadcast %jit3A_312 : i32 to vector<16x256xi32>
      %div3A_314 = arith.divsi %iota3A_173, %div3A_313 : vector<16x256xi32>
      %sign3A_315 = arith.constant 0 : i32
      %sign3A_316 = vector.broadcast %sign3A_315 : i32 to vector<16x256xi32>
      %sign3A_317 = arith.cmpi sgt, %iota3A_173, %sign3A_316 : vector<16x256xi32>
      %sign3A_318 = arith.extui %sign3A_317 : vector<16x256xi1> to vector<16x256xi32>
      %sign3A_319 = arith.constant 0 : i32
      %sign3A_320 = vector.broadcast %sign3A_319 : i32 to vector<16x256xi32>
      %sign3A_321 = arith.cmpi slt, %iota3A_173, %sign3A_320 : vector<16x256xi32>
      %sign3A_322 = arith.extui %sign3A_321 : vector<16x256xi1> to vector<16x256xi32>
      %sign3A_323 = arith.subi %sign3A_318, %sign3A_322 : vector<16x256xi32>
      %sign3A_324 = arith.constant 0 : i32
      %sign3A_325 = arith.cmpi sgt, %jit3A_312, %sign3A_324 : i32
      %sign3A_326 = arith.extui %sign3A_325 : i1 to i32
      %sign3A_327 = arith.constant 0 : i32
      %sign3A_328 = arith.cmpi slt, %jit3A_312, %sign3A_327 : i32
      %sign3A_329 = arith.extui %sign3A_328 : i1 to i32
      %sign3A_330 = arith.subi %sign3A_326, %sign3A_329 : i32
      %ne3A_331 = vector.broadcast %sign3A_330 : i32 to vector<16x256xi32>
      %ne3A_332 = arith.cmpi ne, %sign3A_323, %ne3A_331 : vector<16x256xi32>
      %rem3A_333 = vector.broadcast %jit3A_312 : i32 to vector<16x256xi32>
      %rem3A_334 = arith.remsi %iota3A_173, %rem3A_333 : vector<16x256xi32>
      %ne3A_335 = arith.constant 0 : i32
      %ne3A_336 = vector.broadcast %ne3A_335 : i32 to vector<16x256xi32>
      %ne3A_337 = arith.cmpi ne, %rem3A_334, %ne3A_336 : vector<16x256xi32>
      %and3A_338 = arith.andi %ne3A_332, %ne3A_337 : vector<16x256xi1>
      %sub3A_339 = arith.constant 1 : i32
      %sub3A_340 = vector.broadcast %sub3A_339 : i32 to vector<16x256xi32>
      %sub3A_341 = arith.subi %div3A_314, %sub3A_340 : vector<16x256xi32>
      %select_n3A_342 = arith.select %and3A_338, %sub3A_341, %div3A_314 : vector<16x256xi1>, vector<16x256xi32>
      %eq3A_343 = arith.constant 2 : i32
      %eq3A_344 = vector.broadcast %eq3A_343 : i32 to vector<16x256xi32>
      %eq3A_345 = arith.cmpi eq, %select_n3A_342, %eq3A_344 : vector<16x256xi32>
      %jit3A_346 = arith.constant 16 : i32
      %eq3A_347 = arith.constant 0 : i32
      %eq3A_348 = arith.cmpi eq, %jit3A_346, %eq3A_347 : i32
      %jit3A_349 = arith.constant 1 : i32
      %select_n3A_350 = arith.select %eq3A_348, %jit3A_349, %jit3A_346 : i32
      %rem3A_351 = vector.broadcast %select_n3A_350 : i32 to vector<16x256xi32>
      %rem3A_352 = arith.remsi %iota3A_173, %rem3A_351 : vector<16x256xi32>
      %ne3A_353 = arith.constant 0 : i32
      %ne3A_354 = vector.broadcast %ne3A_353 : i32 to vector<16x256xi32>
      %ne3A_355 = arith.cmpi ne, %rem3A_352, %ne3A_354 : vector<16x256xi32>
      %lt3A_356 = arith.constant 0 : i32
      %lt3A_357 = vector.broadcast %lt3A_356 : i32 to vector<16x256xi32>
      %lt3A_358 = arith.cmpi slt, %rem3A_352, %lt3A_357 : vector<16x256xi32>
      %lt3A_359 = arith.constant 0 : i32
      %lt3A_360 = arith.cmpi slt, %select_n3A_350, %lt3A_359 : i32
      %ne3A_361 = vector.broadcast %lt3A_360 : i1 to vector<16x256xi1>
      %ne3A_362 = vector.broadcast %ne3A_361 : vector<16x256xi1> to vector<16x256xi1>
      %ne3A_363 = arith.xori %lt3A_358, %ne3A_362 : vector<16x256xi1>
      %and3A_364 = arith.andi %ne3A_363, %ne3A_355 : vector<16x256xi1>
      %add3A_365 = vector.broadcast %select_n3A_350 : i32 to vector<16x256xi32>
      %add3A_366 = arith.addi %rem3A_352, %add3A_365 : vector<16x256xi32>
      %select_n3A_367 = arith.select %and3A_364, %add3A_366, %rem3A_352 : vector<16x256xi1>, vector<16x256xi32>
      %eq3A_368 = arith.cmpi eq, %select_n3A_367, %iota3A_174 : vector<16x256xi32>
      %and3A_369 = arith.andi %eq3A_345, %eq3A_368 : vector<16x256xi1>
      %convert_element_type3A_370 = arith.extui %and3A_369 : vector<16x256xi1> to vector<16x256xi32>
      %convert_element_type3A_371 = arith.sitofp %convert_element_type3A_370 : vector<16x256xi32> to vector<16x256xf32>
      %dot_general3A_372 = arith.constant dense<0.000000e+00> : vector<16x256xf32>
      %dot_general3A_373 = tpu.matmul %dot_general3A_311, %convert_element_type3A_371, %dot_general3A_372 {dimension_numbers = #tpu.dot_dimension_numbers<[1], [0], [0], [1], [0, 0, 1, 1], [], []>, transpose_lhs_hint = false} : vector<16x16xf32>, vector<16x256xf32>, vector<16x256xf32> -> vector<16x256xf32>
      %add3A_374 = arith.addf %add3A_308, %dot_general3A_373 : vector<16x256xf32>
      %slice3A_375 = vector.extract_strided_slice %mul3A_166 {offsets = [48, 0], sizes = [16, 64], strides = [1, 1]} : vector<256x64xf32> to vector<16x64xf32>
      %dot_general3A_376 = arith.constant dense<0.000000e+00> : vector<16x16xf32>
      %dot_general3A_377 = tpu.matmul %slice3A_375, %get3A_172, %dot_general3A_376 {dimension_numbers = #tpu.dot_dimension_numbers<[1], [0], [0], [1], [0, 0, 1, 1], [], []>, transpose_lhs_hint = false} : vector<16x64xf32>, vector<64x16xf32>, vector<16x16xf32> -> vector<16x16xf32>
      %jit3A_378 = arith.constant 16 : i32
      %div3A_379 = vector.broadcast %jit3A_378 : i32 to vector<16x256xi32>
      %div3A_380 = arith.divsi %iota3A_173, %div3A_379 : vector<16x256xi32>
      %sign3A_381 = arith.constant 0 : i32
      %sign3A_382 = vector.broadcast %sign3A_381 : i32 to vector<16x256xi32>
      %sign3A_383 = arith.cmpi sgt, %iota3A_173, %sign3A_382 : vector<16x256xi32>
      %sign3A_384 = arith.extui %sign3A_383 : vector<16x256xi1> to vector<16x256xi32>
      %sign3A_385 = arith.constant 0 : i32
      %sign3A_386 = vector.broadcast %sign3A_385 : i32 to vector<16x256xi32>
      %sign3A_387 = arith.cmpi slt, %iota3A_173, %sign3A_386 : vector<16x256xi32>
      %sign3A_388 = arith.extui %sign3A_387 : vector<16x256xi1> to vector<16x256xi32>
      %sign3A_389 = arith.subi %sign3A_384, %sign3A_388 : vector<16x256xi32>
      %sign3A_390 = arith.constant 0 : i32
      %sign3A_391 = arith.cmpi sgt, %jit3A_378, %sign3A_390 : i32
      %sign3A_392 = arith.extui %sign3A_391 : i1 to i32
      %sign3A_393 = arith.constant 0 : i32
      %sign3A_394 = arith.cmpi slt, %jit3A_378, %sign3A_393 : i32
      %sign3A_395 = arith.extui %sign3A_394 : i1 to i32
      %sign3A_396 = arith.subi %sign3A_392, %sign3A_395 : i32
      %ne3A_397 = vector.broadcast %sign3A_396 : i32 to vector<16x256xi32>
      %ne3A_398 = arith.cmpi ne, %sign3A_389, %ne3A_397 : vector<16x256xi32>
      %rem3A_399 = vector.broadcast %jit3A_378 : i32 to vector<16x256xi32>
      %rem3A_400 = arith.remsi %iota3A_173, %rem3A_399 : vector<16x256xi32>
      %ne3A_401 = arith.constant 0 : i32
      %ne3A_402 = vector.broadcast %ne3A_401 : i32 to vector<16x256xi32>
      %ne3A_403 = arith.cmpi ne, %rem3A_400, %ne3A_402 : vector<16x256xi32>
      %and3A_404 = arith.andi %ne3A_398, %ne3A_403 : vector<16x256xi1>
      %sub3A_405 = arith.constant 1 : i32
      %sub3A_406 = vector.broadcast %sub3A_405 : i32 to vector<16x256xi32>
      %sub3A_407 = arith.subi %div3A_380, %sub3A_406 : vector<16x256xi32>
      %select_n3A_408 = arith.select %and3A_404, %sub3A_407, %div3A_380 : vector<16x256xi1>, vector<16x256xi32>
      %eq3A_409 = arith.constant 3 : i32
      %eq3A_410 = vector.broadcast %eq3A_409 : i32 to vector<16x256xi32>
      %eq3A_411 = arith.cmpi eq, %select_n3A_408, %eq3A_410 : vector<16x256xi32>
      %jit3A_412 = arith.constant 16 : i32
      %eq3A_413 = arith.constant 0 : i32
      %eq3A_414 = arith.cmpi eq, %jit3A_412, %eq3A_413 : i32
      %jit3A_415 = arith.constant 1 : i32
      %select_n3A_416 = arith.select %eq3A_414, %jit3A_415, %jit3A_412 : i32
      %rem3A_417 = vector.broadcast %select_n3A_416 : i32 to vector<16x256xi32>
      %rem3A_418 = arith.remsi %iota3A_173, %rem3A_417 : vector<16x256xi32>
      %ne3A_419 = arith.constant 0 : i32
      %ne3A_420 = vector.broadcast %ne3A_419 : i32 to vector<16x256xi32>
      %ne3A_421 = arith.cmpi ne, %rem3A_418, %ne3A_420 : vector<16x256xi32>
      %lt3A_422 = arith.constant 0 : i32
      %lt3A_423 = vector.broadcast %lt3A_422 : i32 to vector<16x256xi32>
      %lt3A_424 = arith.cmpi slt, %rem3A_418, %lt3A_423 : vector<16x256xi32>
      %lt3A_425 = arith.constant 0 : i32
      %lt3A_426 = arith.cmpi slt, %select_n3A_416, %lt3A_425 : i32
      %ne3A_427 = vector.broadcast %lt3A_426 : i1 to vector<16x256xi1>
      %ne3A_428 = vector.broadcast %ne3A_427 : vector<16x256xi1> to vector<16x256xi1>
      %ne3A_429 = arith.xori %lt3A_424, %ne3A_428 : vector<16x256xi1>
      %and3A_430 = arith.andi %ne3A_429, %ne3A_421 : vector<16x256xi1>
      %add3A_431 = vector.broadcast %select_n3A_416 : i32 to vector<16x256xi32>
      %add3A_432 = arith.addi %rem3A_418, %add3A_431 : vector<16x256xi32>
      %select_n3A_433 = arith.select %and3A_430, %add3A_432, %rem3A_418 : vector<16x256xi1>, vector<16x256xi32>
      %eq3A_434 = arith.cmpi eq, %select_n3A_433, %iota3A_174 : vector<16x256xi32>
      %and3A_435 = arith.andi %eq3A_411, %eq3A_434 : vector<16x256xi1>
      %convert_element_type3A_436 = arith.extui %and3A_435 : vector<16x256xi1> to vector<16x256xi32>
      %convert_element_type3A_437 = arith.sitofp %convert_element_type3A_436 : vector<16x256xi32> to vector<16x256xf32>
      %dot_general3A_438 = arith.constant dense<0.000000e+00> : vector<16x256xf32>
      %dot_general3A_439 = tpu.matmul %dot_general3A_377, %convert_element_type3A_437, %dot_general3A_438 {dimension_numbers = #tpu.dot_dimension_numbers<[1], [0], [0], [1], [0, 0, 1, 1], [], []>, transpose_lhs_hint = false} : vector<16x16xf32>, vector<16x256xf32>, vector<16x256xf32> -> vector<16x256xf32>
      %add3A_440 = arith.addf %add3A_374, %dot_general3A_439 : vector<16x256xf32>
      %slice3A_441 = vector.extract_strided_slice %mul3A_166 {offsets = [64, 0], sizes = [16, 64], strides = [1, 1]} : vector<256x64xf32> to vector<16x64xf32>
      %dot_general3A_442 = arith.constant dense<0.000000e+00> : vector<16x16xf32>
      %dot_general3A_443 = tpu.matmul %slice3A_441, %get3A_172, %dot_general3A_442 {dimension_numbers = #tpu.dot_dimension_numbers<[1], [0], [0], [1], [0, 0, 1, 1], [], []>, transpose_lhs_hint = false} : vector<16x64xf32>, vector<64x16xf32>, vector<16x16xf32> -> vector<16x16xf32>
      %jit3A_444 = arith.constant 16 : i32
      %div3A_445 = vector.broadcast %jit3A_444 : i32 to vector<16x256xi32>
      %div3A_446 = arith.divsi %iota3A_173, %div3A_445 : vector<16x256xi32>
      %sign3A_447 = arith.constant 0 : i32
      %sign3A_448 = vector.broadcast %sign3A_447 : i32 to vector<16x256xi32>
      %sign3A_449 = arith.cmpi sgt, %iota3A_173, %sign3A_448 : vector<16x256xi32>
      %sign3A_450 = arith.extui %sign3A_449 : vector<16x256xi1> to vector<16x256xi32>
      %sign3A_451 = arith.constant 0 : i32
      %sign3A_452 = vector.broadcast %sign3A_451 : i32 to vector<16x256xi32>
      %sign3A_453 = arith.cmpi slt, %iota3A_173, %sign3A_452 : vector<16x256xi32>
      %sign3A_454 = arith.extui %sign3A_453 : vector<16x256xi1> to vector<16x256xi32>
      %sign3A_455 = arith.subi %sign3A_450, %sign3A_454 : vector<16x256xi32>
      %sign3A_456 = arith.constant 0 : i32
      %sign3A_457 = arith.cmpi sgt, %jit3A_444, %sign3A_456 : i32
      %sign3A_458 = arith.extui %sign3A_457 : i1 to i32
      %sign3A_459 = arith.constant 0 : i32
      %sign3A_460 = arith.cmpi slt, %jit3A_444, %sign3A_459 : i32
      %sign3A_461 = arith.extui %sign3A_460 : i1 to i32
      %sign3A_462 = arith.subi %sign3A_458, %sign3A_461 : i32
      %ne3A_463 = vector.broadcast %sign3A_462 : i32 to vector<16x256xi32>
      %ne3A_464 = arith.cmpi ne, %sign3A_455, %ne3A_463 : vector<16x256xi32>
      %rem3A_465 = vector.broadcast %jit3A_444 : i32 to vector<16x256xi32>
      %rem3A_466 = arith.remsi %iota3A_173, %rem3A_465 : vector<16x256xi32>
      %ne3A_467 = arith.constant 0 : i32
      %ne3A_468 = vector.broadcast %ne3A_467 : i32 to vector<16x256xi32>
      %ne3A_469 = arith.cmpi ne, %rem3A_466, %ne3A_468 : vector<16x256xi32>
      %and3A_470 = arith.andi %ne3A_464, %ne3A_469 : vector<16x256xi1>
      %sub3A_471 = arith.constant 1 : i32
      %sub3A_472 = vector.broadcast %sub3A_471 : i32 to vector<16x256xi32>
      %sub3A_473 = arith.subi %div3A_446, %sub3A_472 : vector<16x256xi32>
      %select_n3A_474 = arith.select %and3A_470, %sub3A_473, %div3A_446 : vector<16x256xi1>, vector<16x256xi32>
      %eq3A_475 = arith.constant 4 : i32
      %eq3A_476 = vector.broadcast %eq3A_475 : i32 to vector<16x256xi32>
      %eq3A_477 = arith.cmpi eq, %select_n3A_474, %eq3A_476 : vector<16x256xi32>
      %jit3A_478 = arith.constant 16 : i32
      %eq3A_479 = arith.constant 0 : i32
      %eq3A_480 = arith.cmpi eq, %jit3A_478, %eq3A_479 : i32
      %jit3A_481 = arith.constant 1 : i32
      %select_n3A_482 = arith.select %eq3A_480, %jit3A_481, %jit3A_478 : i32
      %rem3A_483 = vector.broadcast %select_n3A_482 : i32 to vector<16x256xi32>
      %rem3A_484 = arith.remsi %iota3A_173, %rem3A_483 : vector<16x256xi32>
      %ne3A_485 = arith.constant 0 : i32
      %ne3A_486 = vector.broadcast %ne3A_485 : i32 to vector<16x256xi32>
      %ne3A_487 = arith.cmpi ne, %rem3A_484, %ne3A_486 : vector<16x256xi32>
      %lt3A_488 = arith.constant 0 : i32
      %lt3A_489 = vector.broadcast %lt3A_488 : i32 to vector<16x256xi32>
      %lt3A_490 = arith.cmpi slt, %rem3A_484, %lt3A_489 : vector<16x256xi32>
      %lt3A_491 = arith.constant 0 : i32
      %lt3A_492 = arith.cmpi slt, %select_n3A_482, %lt3A_491 : i32
      %ne3A_493 = vector.broadcast %lt3A_492 : i1 to vector<16x256xi1>
      %ne3A_494 = vector.broadcast %ne3A_493 : vector<16x256xi1> to vector<16x256xi1>
      %ne3A_495 = arith.xori %lt3A_490, %ne3A_494 : vector<16x256xi1>
      %and3A_496 = arith.andi %ne3A_495, %ne3A_487 : vector<16x256xi1>
      %add3A_497 = vector.broadcast %select_n3A_482 : i32 to vector<16x256xi32>
      %add3A_498 = arith.addi %rem3A_484, %add3A_497 : vector<16x256xi32>
      %select_n3A_499 = arith.select %and3A_496, %add3A_498, %rem3A_484 : vector<16x256xi1>, vector<16x256xi32>
      %eq3A_500 = arith.cmpi eq, %select_n3A_499, %iota3A_174 : vector<16x256xi32>
      %and3A_501 = arith.andi %eq3A_477, %eq3A_500 : vector<16x256xi1>
      %convert_element_type3A_502 = arith.extui %and3A_501 : vector<16x256xi1> to vector<16x256xi32>
      %convert_element_type3A_503 = arith.sitofp %convert_element_type3A_502 : vector<16x256xi32> to vector<16x256xf32>
      %dot_general3A_504 = arith.constant dense<0.000000e+00> : vector<16x256xf32>
      %dot_general3A_505 = tpu.matmul %dot_general3A_443, %convert_element_type3A_503, %dot_general3A_504 {dimension_numbers = #tpu.dot_dimension_numbers<[1], [0], [0], [1], [0, 0, 1, 1], [], []>, transpose_lhs_hint = false} : vector<16x16xf32>, vector<16x256xf32>, vector<16x256xf32> -> vector<16x256xf32>
      %add3A_506 = arith.addf %add3A_440, %dot_general3A_505 : vector<16x256xf32>
      %slice3A_507 = vector.extract_strided_slice %mul3A_166 {offsets = [80, 0], sizes = [16, 64], strides = [1, 1]} : vector<256x64xf32> to vector<16x64xf32>
      %dot_general3A_508 = arith.constant dense<0.000000e+00> : vector<16x16xf32>
      %dot_general3A_509 = tpu.matmul %slice3A_507, %get3A_172, %dot_general3A_508 {dimension_numbers = #tpu.dot_dimension_numbers<[1], [0], [0], [1], [0, 0, 1, 1], [], []>, transpose_lhs_hint = false} : vector<16x64xf32>, vector<64x16xf32>, vector<16x16xf32> -> vector<16x16xf32>
      %jit3A_510 = arith.constant 16 : i32
      %div3A_511 = vector.broadcast %jit3A_510 : i32 to vector<16x256xi32>
      %div3A_512 = arith.divsi %iota3A_173, %div3A_511 : vector<16x256xi32>
      %sign3A_513 = arith.constant 0 : i32
      %sign3A_514 = vector.broadcast %sign3A_513 : i32 to vector<16x256xi32>
      %sign3A_515 = arith.cmpi sgt, %iota3A_173, %sign3A_514 : vector<16x256xi32>
      %sign3A_516 = arith.extui %sign3A_515 : vector<16x256xi1> to vector<16x256xi32>
      %sign3A_517 = arith.constant 0 : i32
      %sign3A_518 = vector.broadcast %sign3A_517 : i32 to vector<16x256xi32>
      %sign3A_519 = arith.cmpi slt, %iota3A_173, %sign3A_518 : vector<16x256xi32>
      %sign3A_520 = arith.extui %sign3A_519 : vector<16x256xi1> to vector<16x256xi32>
      %sign3A_521 = arith.subi %sign3A_516, %sign3A_520 : vector<16x256xi32>
      %sign3A_522 = arith.constant 0 : i32
      %sign3A_523 = arith.cmpi sgt, %jit3A_510, %sign3A_522 : i32
      %sign3A_524 = arith.extui %sign3A_523 : i1 to i32
      %sign3A_525 = arith.constant 0 : i32
      %sign3A_526 = arith.cmpi slt, %jit3A_510, %sign3A_525 : i32
      %sign3A_527 = arith.extui %sign3A_526 : i1 to i32
      %sign3A_528 = arith.subi %sign3A_524, %sign3A_527 : i32
      %ne3A_529 = vector.broadcast %sign3A_528 : i32 to vector<16x256xi32>
      %ne3A_530 = arith.cmpi ne, %sign3A_521, %ne3A_529 : vector<16x256xi32>
      %rem3A_531 = vector.broadcast %jit3A_510 : i32 to vector<16x256xi32>
      %rem3A_532 = arith.remsi %iota3A_173, %rem3A_531 : vector<16x256xi32>
      %ne3A_533 = arith.constant 0 : i32
      %ne3A_534 = vector.broadcast %ne3A_533 : i32 to vector<16x256xi32>
      %ne3A_535 = arith.cmpi ne, %rem3A_532, %ne3A_534 : vector<16x256xi32>
      %and3A_536 = arith.andi %ne3A_530, %ne3A_535 : vector<16x256xi1>
      %sub3A_537 = arith.constant 1 : i32
      %sub3A_538 = vector.broadcast %sub3A_537 : i32 to vector<16x256xi32>
      %sub3A_539 = arith.subi %div3A_512, %sub3A_538 : vector<16x256xi32>
      %select_n3A_540 = arith.select %and3A_536, %sub3A_539, %div3A_512 : vector<16x256xi1>, vector<16x256xi32>
      %eq3A_541 = arith.constant 5 : i32
      %eq3A_542 = vector.broadcast %eq3A_541 : i32 to vector<16x256xi32>
      %eq3A_543 = arith.cmpi eq, %select_n3A_540, %eq3A_542 : vector<16x256xi32>
      %jit3A_544 = arith.constant 16 : i32
      %eq3A_545 = arith.constant 0 : i32
      %eq3A_546 = arith.cmpi eq, %jit3A_544, %eq3A_545 : i32
      %jit3A_547 = arith.constant 1 : i32
      %select_n3A_548 = arith.select %eq3A_546, %jit3A_547, %jit3A_544 : i32
      %rem3A_549 = vector.broadcast %select_n3A_548 : i32 to vector<16x256xi32>
      %rem3A_550 = arith.remsi %iota3A_173, %rem3A_549 : vector<16x256xi32>
      %ne3A_551 = arith.constant 0 : i32
      %ne3A_552 = vector.broadcast %ne3A_551 : i32 to vector<16x256xi32>
      %ne3A_553 = arith.cmpi ne, %rem3A_550, %ne3A_552 : vector<16x256xi32>
      %lt3A_554 = arith.constant 0 : i32
      %lt3A_555 = vector.broadcast %lt3A_554 : i32 to vector<16x256xi32>
      %lt3A_556 = arith.cmpi slt, %rem3A_550, %lt3A_555 : vector<16x256xi32>
      %lt3A_557 = arith.constant 0 : i32
      %lt3A_558 = arith.cmpi slt, %select_n3A_548, %lt3A_557 : i32
      %ne3A_559 = vector.broadcast %lt3A_558 : i1 to vector<16x256xi1>
      %ne3A_560 = vector.broadcast %ne3A_559 : vector<16x256xi1> to vector<16x256xi1>
      %ne3A_561 = arith.xori %lt3A_556, %ne3A_560 : vector<16x256xi1>
      %and3A_562 = arith.andi %ne3A_561, %ne3A_553 : vector<16x256xi1>
      %add3A_563 = vector.broadcast %select_n3A_548 : i32 to vector<16x256xi32>
      %add3A_564 = arith.addi %rem3A_550, %add3A_563 : vector<16x256xi32>
      %select_n3A_565 = arith.select %and3A_562, %add3A_564, %rem3A_550 : vector<16x256xi1>, vector<16x256xi32>
      %eq3A_566 = arith.cmpi eq, %select_n3A_565, %iota3A_174 : vector<16x256xi32>
      %and3A_567 = arith.andi %eq3A_543, %eq3A_566 : vector<16x256xi1>
      %convert_element_type3A_568 = arith.extui %and3A_567 : vector<16x256xi1> to vector<16x256xi32>
      %convert_element_type3A_569 = arith.sitofp %convert_element_type3A_568 : vector<16x256xi32> to vector<16x256xf32>
      %dot_general3A_570 = arith.constant dense<0.000000e+00> : vector<16x256xf32>
      %dot_general3A_571 = tpu.matmul %dot_general3A_509, %convert_element_type3A_569, %dot_general3A_570 {dimension_numbers = #tpu.dot_dimension_numbers<[1], [0], [0], [1], [0, 0, 1, 1], [], []>, transpose_lhs_hint = false} : vector<16x16xf32>, vector<16x256xf32>, vector<16x256xf32> -> vector<16x256xf32>
      %add3A_572 = arith.addf %add3A_506, %dot_general3A_571 : vector<16x256xf32>
      %slice3A_573 = vector.extract_strided_slice %mul3A_166 {offsets = [96, 0], sizes = [16, 64], strides = [1, 1]} : vector<256x64xf32> to vector<16x64xf32>
      %dot_general3A_574 = arith.constant dense<0.000000e+00> : vector<16x16xf32>
      %dot_general3A_575 = tpu.matmul %slice3A_573, %get3A_172, %dot_general3A_574 {dimension_numbers = #tpu.dot_dimension_numbers<[1], [0], [0], [1], [0, 0, 1, 1], [], []>, transpose_lhs_hint = false} : vector<16x64xf32>, vector<64x16xf32>, vector<16x16xf32> -> vector<16x16xf32>
      %jit3A_576 = arith.constant 16 : i32
      %div3A_577 = vector.broadcast %jit3A_576 : i32 to vector<16x256xi32>
      %div3A_578 = arith.divsi %iota3A_173, %div3A_577 : vector<16x256xi32>
      %sign3A_579 = arith.constant 0 : i32
      %sign3A_580 = vector.broadcast %sign3A_579 : i32 to vector<16x256xi32>
      %sign3A_581 = arith.cmpi sgt, %iota3A_173, %sign3A_580 : vector<16x256xi32>
      %sign3A_582 = arith.extui %sign3A_581 : vector<16x256xi1> to vector<16x256xi32>
      %sign3A_583 = arith.constant 0 : i32
      %sign3A_584 = vector.broadcast %sign3A_583 : i32 to vector<16x256xi32>
      %sign3A_585 = arith.cmpi slt, %iota3A_173, %sign3A_584 : vector<16x256xi32>
      %sign3A_586 = arith.extui %sign3A_585 : vector<16x256xi1> to vector<16x256xi32>
      %sign3A_587 = arith.subi %sign3A_582, %sign3A_586 : vector<16x256xi32>
      %sign3A_588 = arith.constant 0 : i32
      %sign3A_589 = arith.cmpi sgt, %jit3A_576, %sign3A_588 : i32
      %sign3A_590 = arith.extui %sign3A_589 : i1 to i32
      %sign3A_591 = arith.constant 0 : i32
      %sign3A_592 = arith.cmpi slt, %jit3A_576, %sign3A_591 : i32
      %sign3A_593 = arith.extui %sign3A_592 : i1 to i32
      %sign3A_594 = arith.subi %sign3A_590, %sign3A_593 : i32
      %ne3A_595 = vector.broadcast %sign3A_594 : i32 to vector<16x256xi32>
      %ne3A_596 = arith.cmpi ne, %sign3A_587, %ne3A_595 : vector<16x256xi32>
      %rem3A_597 = vector.broadcast %jit3A_576 : i32 to vector<16x256xi32>
      %rem3A_598 = arith.remsi %iota3A_173, %rem3A_597 : vector<16x256xi32>
      %ne3A_599 = arith.constant 0 : i32
      %ne3A_600 = vector.broadcast %ne3A_599 : i32 to vector<16x256xi32>
      %ne3A_601 = arith.cmpi ne, %rem3A_598, %ne3A_600 : vector<16x256xi32>
      %and3A_602 = arith.andi %ne3A_596, %ne3A_601 : vector<16x256xi1>
      %sub3A_603 = arith.constant 1 : i32
      %sub3A_604 = vector.broadcast %sub3A_603 : i32 to vector<16x256xi32>
      %sub3A_605 = arith.subi %div3A_578, %sub3A_604 : vector<16x256xi32>
      %select_n3A_606 = arith.select %and3A_602, %sub3A_605, %div3A_578 : vector<16x256xi1>, vector<16x256xi32>
      %eq3A_607 = arith.constant 6 : i32
      %eq3A_608 = vector.broadcast %eq3A_607 : i32 to vector<16x256xi32>
      %eq3A_609 = arith.cmpi eq, %select_n3A_606, %eq3A_608 : vector<16x256xi32>
      %jit3A_610 = arith.constant 16 : i32
      %eq3A_611 = arith.constant 0 : i32
      %eq3A_612 = arith.cmpi eq, %jit3A_610, %eq3A_611 : i32
      %jit3A_613 = arith.constant 1 : i32
      %select_n3A_614 = arith.select %eq3A_612, %jit3A_613, %jit3A_610 : i32
      %rem3A_615 = vector.broadcast %select_n3A_614 : i32 to vector<16x256xi32>
      %rem3A_616 = arith.remsi %iota3A_173, %rem3A_615 : vector<16x256xi32>
      %ne3A_617 = arith.constant 0 : i32
      %ne3A_618 = vector.broadcast %ne3A_617 : i32 to vector<16x256xi32>
      %ne3A_619 = arith.cmpi ne, %rem3A_616, %ne3A_618 : vector<16x256xi32>
      %lt3A_620 = arith.constant 0 : i32
      %lt3A_621 = vector.broadcast %lt3A_620 : i32 to vector<16x256xi32>
      %lt3A_622 = arith.cmpi slt, %rem3A_616, %lt3A_621 : vector<16x256xi32>
      %lt3A_623 = arith.constant 0 : i32
      %lt3A_624 = arith.cmpi slt, %select_n3A_614, %lt3A_623 : i32
      %ne3A_625 = vector.broadcast %lt3A_624 : i1 to vector<16x256xi1>
      %ne3A_626 = vector.broadcast %ne3A_625 : vector<16x256xi1> to vector<16x256xi1>
      %ne3A_627 = arith.xori %lt3A_622, %ne3A_626 : vector<16x256xi1>
      %and3A_628 = arith.andi %ne3A_627, %ne3A_619 : vector<16x256xi1>
      %add3A_629 = vector.broadcast %select_n3A_614 : i32 to vector<16x256xi32>
      %add3A_630 = arith.addi %rem3A_616, %add3A_629 : vector<16x256xi32>
      %select_n3A_631 = arith.select %and3A_628, %add3A_630, %rem3A_616 : vector<16x256xi1>, vector<16x256xi32>
      %eq3A_632 = arith.cmpi eq, %select_n3A_631, %iota3A_174 : vector<16x256xi32>
      %and3A_633 = arith.andi %eq3A_609, %eq3A_632 : vector<16x256xi1>
      %convert_element_type3A_634 = arith.extui %and3A_633 : vector<16x256xi1> to vector<16x256xi32>
      %convert_element_type3A_635 = arith.sitofp %convert_element_type3A_634 : vector<16x256xi32> to vector<16x256xf32>
      %dot_general3A_636 = arith.constant dense<0.000000e+00> : vector<16x256xf32>
      %dot_general3A_637 = tpu.matmul %dot_general3A_575, %convert_element_type3A_635, %dot_general3A_636 {dimension_numbers = #tpu.dot_dimension_numbers<[1], [0], [0], [1], [0, 0, 1, 1], [], []>, transpose_lhs_hint = false} : vector<16x16xf32>, vector<16x256xf32>, vector<16x256xf32> -> vector<16x256xf32>
      %add3A_638 = arith.addf %add3A_572, %dot_general3A_637 : vector<16x256xf32>
      %slice3A_639 = vector.extract_strided_slice %mul3A_166 {offsets = [112, 0], sizes = [16, 64], strides = [1, 1]} : vector<256x64xf32> to vector<16x64xf32>
      %dot_general3A_640 = arith.constant dense<0.000000e+00> : vector<16x16xf32>
      %dot_general3A_641 = tpu.matmul %slice3A_639, %get3A_172, %dot_general3A_640 {dimension_numbers = #tpu.dot_dimension_numbers<[1], [0], [0], [1], [0, 0, 1, 1], [], []>, transpose_lhs_hint = false} : vector<16x64xf32>, vector<64x16xf32>, vector<16x16xf32> -> vector<16x16xf32>
      %jit3A_642 = arith.constant 16 : i32
      %div3A_643 = vector.broadcast %jit3A_642 : i32 to vector<16x256xi32>
      %div3A_644 = arith.divsi %iota3A_173, %div3A_643 : vector<16x256xi32>
      %sign3A_645 = arith.constant 0 : i32
      %sign3A_646 = vector.broadcast %sign3A_645 : i32 to vector<16x256xi32>
      %sign3A_647 = arith.cmpi sgt, %iota3A_173, %sign3A_646 : vector<16x256xi32>
      %sign3A_648 = arith.extui %sign3A_647 : vector<16x256xi1> to vector<16x256xi32>
      %sign3A_649 = arith.constant 0 : i32
      %sign3A_650 = vector.broadcast %sign3A_649 : i32 to vector<16x256xi32>
      %sign3A_651 = arith.cmpi slt, %iota3A_173, %sign3A_650 : vector<16x256xi32>
      %sign3A_652 = arith.extui %sign3A_651 : vector<16x256xi1> to vector<16x256xi32>
      %sign3A_653 = arith.subi %sign3A_648, %sign3A_652 : vector<16x256xi32>
      %sign3A_654 = arith.constant 0 : i32
      %sign3A_655 = arith.cmpi sgt, %jit3A_642, %sign3A_654 : i32
      %sign3A_656 = arith.extui %sign3A_655 : i1 to i32
      %sign3A_657 = arith.constant 0 : i32
      %sign3A_658 = arith.cmpi slt, %jit3A_642, %sign3A_657 : i32
      %sign3A_659 = arith.extui %sign3A_658 : i1 to i32
      %sign3A_660 = arith.subi %sign3A_656, %sign3A_659 : i32
      %ne3A_661 = vector.broadcast %sign3A_660 : i32 to vector<16x256xi32>
      %ne3A_662 = arith.cmpi ne, %sign3A_653, %ne3A_661 : vector<16x256xi32>
      %rem3A_663 = vector.broadcast %jit3A_642 : i32 to vector<16x256xi32>
      %rem3A_664 = arith.remsi %iota3A_173, %rem3A_663 : vector<16x256xi32>
      %ne3A_665 = arith.constant 0 : i32
      %ne3A_666 = vector.broadcast %ne3A_665 : i32 to vector<16x256xi32>
      %ne3A_667 = arith.cmpi ne, %rem3A_664, %ne3A_666 : vector<16x256xi32>
      %and3A_668 = arith.andi %ne3A_662, %ne3A_667 : vector<16x256xi1>
      %sub3A_669 = arith.constant 1 : i32
      %sub3A_670 = vector.broadcast %sub3A_669 : i32 to vector<16x256xi32>
      %sub3A_671 = arith.subi %div3A_644, %sub3A_670 : vector<16x256xi32>
      %select_n3A_672 = arith.select %and3A_668, %sub3A_671, %div3A_644 : vector<16x256xi1>, vector<16x256xi32>
      %eq3A_673 = arith.constant 7 : i32
      %eq3A_674 = vector.broadcast %eq3A_673 : i32 to vector<16x256xi32>
      %eq3A_675 = arith.cmpi eq, %select_n3A_672, %eq3A_674 : vector<16x256xi32>
      %jit3A_676 = arith.constant 16 : i32
      %eq3A_677 = arith.constant 0 : i32
      %eq3A_678 = arith.cmpi eq, %jit3A_676, %eq3A_677 : i32
      %jit3A_679 = arith.constant 1 : i32
      %select_n3A_680 = arith.select %eq3A_678, %jit3A_679, %jit3A_676 : i32
      %rem3A_681 = vector.broadcast %select_n3A_680 : i32 to vector<16x256xi32>
      %rem3A_682 = arith.remsi %iota3A_173, %rem3A_681 : vector<16x256xi32>
      %ne3A_683 = arith.constant 0 : i32
      %ne3A_684 = vector.broadcast %ne3A_683 : i32 to vector<16x256xi32>
      %ne3A_685 = arith.cmpi ne, %rem3A_682, %ne3A_684 : vector<16x256xi32>
      %lt3A_686 = arith.constant 0 : i32
      %lt3A_687 = vector.broadcast %lt3A_686 : i32 to vector<16x256xi32>
      %lt3A_688 = arith.cmpi slt, %rem3A_682, %lt3A_687 : vector<16x256xi32>
      %lt3A_689 = arith.constant 0 : i32
      %lt3A_690 = arith.cmpi slt, %select_n3A_680, %lt3A_689 : i32
      %ne3A_691 = vector.broadcast %lt3A_690 : i1 to vector<16x256xi1>
      %ne3A_692 = vector.broadcast %ne3A_691 : vector<16x256xi1> to vector<16x256xi1>
      %ne3A_693 = arith.xori %lt3A_688, %ne3A_692 : vector<16x256xi1>
      %and3A_694 = arith.andi %ne3A_693, %ne3A_685 : vector<16x256xi1>
      %add3A_695 = vector.broadcast %select_n3A_680 : i32 to vector<16x256xi32>
      %add3A_696 = arith.addi %rem3A_682, %add3A_695 : vector<16x256xi32>
      %select_n3A_697 = arith.select %and3A_694, %add3A_696, %rem3A_682 : vector<16x256xi1>, vector<16x256xi32>
      %eq3A_698 = arith.cmpi eq, %select_n3A_697, %iota3A_174 : vector<16x256xi32>
      %and3A_699 = arith.andi %eq3A_675, %eq3A_698 : vector<16x256xi1>
      %convert_element_type3A_700 = arith.extui %and3A_699 : vector<16x256xi1> to vector<16x256xi32>
      %convert_element_type3A_701 = arith.sitofp %convert_element_type3A_700 : vector<16x256xi32> to vector<16x256xf32>
      %dot_general3A_702 = arith.constant dense<0.000000e+00> : vector<16x256xf32>
      %dot_general3A_703 = tpu.matmul %dot_general3A_641, %convert_element_type3A_701, %dot_general3A_702 {dimension_numbers = #tpu.dot_dimension_numbers<[1], [0], [0], [1], [0, 0, 1, 1], [], []>, transpose_lhs_hint = false} : vector<16x16xf32>, vector<16x256xf32>, vector<16x256xf32> -> vector<16x256xf32>
      %add3A_704 = arith.addf %add3A_638, %dot_general3A_703 : vector<16x256xf32>
      %slice3A_705 = vector.extract_strided_slice %mul3A_166 {offsets = [128, 0], sizes = [16, 64], strides = [1, 1]} : vector<256x64xf32> to vector<16x64xf32>
      %dot_general3A_706 = arith.constant dense<0.000000e+00> : vector<16x16xf32>
      %dot_general3A_707 = tpu.matmul %slice3A_705, %get3A_172, %dot_general3A_706 {dimension_numbers = #tpu.dot_dimension_numbers<[1], [0], [0], [1], [0, 0, 1, 1], [], []>, transpose_lhs_hint = false} : vector<16x64xf32>, vector<64x16xf32>, vector<16x16xf32> -> vector<16x16xf32>
      %jit3A_708 = arith.constant 16 : i32
      %div3A_709 = vector.broadcast %jit3A_708 : i32 to vector<16x256xi32>
      %div3A_710 = arith.divsi %iota3A_173, %div3A_709 : vector<16x256xi32>
      %sign3A_711 = arith.constant 0 : i32
      %sign3A_712 = vector.broadcast %sign3A_711 : i32 to vector<16x256xi32>
      %sign3A_713 = arith.cmpi sgt, %iota3A_173, %sign3A_712 : vector<16x256xi32>
      %sign3A_714 = arith.extui %sign3A_713 : vector<16x256xi1> to vector<16x256xi32>
      %sign3A_715 = arith.constant 0 : i32
      %sign3A_716 = vector.broadcast %sign3A_715 : i32 to vector<16x256xi32>
      %sign3A_717 = arith.cmpi slt, %iota3A_173, %sign3A_716 : vector<16x256xi32>
      %sign3A_718 = arith.extui %sign3A_717 : vector<16x256xi1> to vector<16x256xi32>
      %sign3A_719 = arith.subi %sign3A_714, %sign3A_718 : vector<16x256xi32>
      %sign3A_720 = arith.constant 0 : i32
      %sign3A_721 = arith.cmpi sgt, %jit3A_708, %sign3A_720 : i32
      %sign3A_722 = arith.extui %sign3A_721 : i1 to i32
      %sign3A_723 = arith.constant 0 : i32
      %sign3A_724 = arith.cmpi slt, %jit3A_708, %sign3A_723 : i32
      %sign3A_725 = arith.extui %sign3A_724 : i1 to i32
      %sign3A_726 = arith.subi %sign3A_722, %sign3A_725 : i32
      %ne3A_727 = vector.broadcast %sign3A_726 : i32 to vector<16x256xi32>
      %ne3A_728 = arith.cmpi ne, %sign3A_719, %ne3A_727 : vector<16x256xi32>
      %rem3A_729 = vector.broadcast %jit3A_708 : i32 to vector<16x256xi32>
      %rem3A_730 = arith.remsi %iota3A_173, %rem3A_729 : vector<16x256xi32>
      %ne3A_731 = arith.constant 0 : i32
      %ne3A_732 = vector.broadcast %ne3A_731 : i32 to vector<16x256xi32>
      %ne3A_733 = arith.cmpi ne, %rem3A_730, %ne3A_732 : vector<16x256xi32>
      %and3A_734 = arith.andi %ne3A_728, %ne3A_733 : vector<16x256xi1>
      %sub3A_735 = arith.constant 1 : i32
      %sub3A_736 = vector.broadcast %sub3A_735 : i32 to vector<16x256xi32>
      %sub3A_737 = arith.subi %div3A_710, %sub3A_736 : vector<16x256xi32>
      %select_n3A_738 = arith.select %and3A_734, %sub3A_737, %div3A_710 : vector<16x256xi1>, vector<16x256xi32>
      %eq3A_739 = arith.constant 8 : i32
      %eq3A_740 = vector.broadcast %eq3A_739 : i32 to vector<16x256xi32>
      %eq3A_741 = arith.cmpi eq, %select_n3A_738, %eq3A_740 : vector<16x256xi32>
      %jit3A_742 = arith.constant 16 : i32
      %eq3A_743 = arith.constant 0 : i32
      %eq3A_744 = arith.cmpi eq, %jit3A_742, %eq3A_743 : i32
      %jit3A_745 = arith.constant 1 : i32
      %select_n3A_746 = arith.select %eq3A_744, %jit3A_745, %jit3A_742 : i32
      %rem3A_747 = vector.broadcast %select_n3A_746 : i32 to vector<16x256xi32>
      %rem3A_748 = arith.remsi %iota3A_173, %rem3A_747 : vector<16x256xi32>
      %ne3A_749 = arith.constant 0 : i32
      %ne3A_750 = vector.broadcast %ne3A_749 : i32 to vector<16x256xi32>
      %ne3A_751 = arith.cmpi ne, %rem3A_748, %ne3A_750 : vector<16x256xi32>
      %lt3A_752 = arith.constant 0 : i32
      %lt3A_753 = vector.broadcast %lt3A_752 : i32 to vector<16x256xi32>
      %lt3A_754 = arith.cmpi slt, %rem3A_748, %lt3A_753 : vector<16x256xi32>
      %lt3A_755 = arith.constant 0 : i32
      %lt3A_756 = arith.cmpi slt, %select_n3A_746, %lt3A_755 : i32
      %ne3A_757 = vector.broadcast %lt3A_756 : i1 to vector<16x256xi1>
      %ne3A_758 = vector.broadcast %ne3A_757 : vector<16x256xi1> to vector<16x256xi1>
      %ne3A_759 = arith.xori %lt3A_754, %ne3A_758 : vector<16x256xi1>
      %and3A_760 = arith.andi %ne3A_759, %ne3A_751 : vector<16x256xi1>
      %add3A_761 = vector.broadcast %select_n3A_746 : i32 to vector<16x256xi32>
      %add3A_762 = arith.addi %rem3A_748, %add3A_761 : vector<16x256xi32>
      %select_n3A_763 = arith.select %and3A_760, %add3A_762, %rem3A_748 : vector<16x256xi1>, vector<16x256xi32>
      %eq3A_764 = arith.cmpi eq, %select_n3A_763, %iota3A_174 : vector<16x256xi32>
      %and3A_765 = arith.andi %eq3A_741, %eq3A_764 : vector<16x256xi1>
      %convert_element_type3A_766 = arith.extui %and3A_765 : vector<16x256xi1> to vector<16x256xi32>
      %convert_element_type3A_767 = arith.sitofp %convert_element_type3A_766 : vector<16x256xi32> to vector<16x256xf32>
      %dot_general3A_768 = arith.constant dense<0.000000e+00> : vector<16x256xf32>
      %dot_general3A_769 = tpu.matmul %dot_general3A_707, %convert_element_type3A_767, %dot_general3A_768 {dimension_numbers = #tpu.dot_dimension_numbers<[1], [0], [0], [1], [0, 0, 1, 1], [], []>, transpose_lhs_hint = false} : vector<16x16xf32>, vector<16x256xf32>, vector<16x256xf32> -> vector<16x256xf32>
      %add3A_770 = arith.addf %add3A_704, %dot_general3A_769 : vector<16x256xf32>
      %slice3A_771 = vector.extract_strided_slice %mul3A_166 {offsets = [144, 0], sizes = [16, 64], strides = [1, 1]} : vector<256x64xf32> to vector<16x64xf32>
      %dot_general3A_772 = arith.constant dense<0.000000e+00> : vector<16x16xf32>
      %dot_general3A_773 = tpu.matmul %slice3A_771, %get3A_172, %dot_general3A_772 {dimension_numbers = #tpu.dot_dimension_numbers<[1], [0], [0], [1], [0, 0, 1, 1], [], []>, transpose_lhs_hint = false} : vector<16x64xf32>, vector<64x16xf32>, vector<16x16xf32> -> vector<16x16xf32>
      %jit3A_774 = arith.constant 16 : i32
      %div3A_775 = vector.broadcast %jit3A_774 : i32 to vector<16x256xi32>
      %div3A_776 = arith.divsi %iota3A_173, %div3A_775 : vector<16x256xi32>
      %sign3A_777 = arith.constant 0 : i32
      %sign3A_778 = vector.broadcast %sign3A_777 : i32 to vector<16x256xi32>
      %sign3A_779 = arith.cmpi sgt, %iota3A_173, %sign3A_778 : vector<16x256xi32>
      %sign3A_780 = arith.extui %sign3A_779 : vector<16x256xi1> to vector<16x256xi32>
      %sign3A_781 = arith.constant 0 : i32
      %sign3A_782 = vector.broadcast %sign3A_781 : i32 to vector<16x256xi32>
      %sign3A_783 = arith.cmpi slt, %iota3A_173, %sign3A_782 : vector<16x256xi32>
      %sign3A_784 = arith.extui %sign3A_783 : vector<16x256xi1> to vector<16x256xi32>
      %sign3A_785 = arith.subi %sign3A_780, %sign3A_784 : vector<16x256xi32>
      %sign3A_786 = arith.constant 0 : i32
      %sign3A_787 = arith.cmpi sgt, %jit3A_774, %sign3A_786 : i32
      %sign3A_788 = arith.extui %sign3A_787 : i1 to i32
      %sign3A_789 = arith.constant 0 : i32
      %sign3A_790 = arith.cmpi slt, %jit3A_774, %sign3A_789 : i32
      %sign3A_791 = arith.extui %sign3A_790 : i1 to i32
      %sign3A_792 = arith.subi %sign3A_788, %sign3A_791 : i32
      %ne3A_793 = vector.broadcast %sign3A_792 : i32 to vector<16x256xi32>
      %ne3A_794 = arith.cmpi ne, %sign3A_785, %ne3A_793 : vector<16x256xi32>
      %rem3A_795 = vector.broadcast %jit3A_774 : i32 to vector<16x256xi32>
      %rem3A_796 = arith.remsi %iota3A_173, %rem3A_795 : vector<16x256xi32>
      %ne3A_797 = arith.constant 0 : i32
      %ne3A_798 = vector.broadcast %ne3A_797 : i32 to vector<16x256xi32>
      %ne3A_799 = arith.cmpi ne, %rem3A_796, %ne3A_798 : vector<16x256xi32>
      %and3A_800 = arith.andi %ne3A_794, %ne3A_799 : vector<16x256xi1>
      %sub3A_801 = arith.constant 1 : i32
      %sub3A_802 = vector.broadcast %sub3A_801 : i32 to vector<16x256xi32>
      %sub3A_803 = arith.subi %div3A_776, %sub3A_802 : vector<16x256xi32>
      %select_n3A_804 = arith.select %and3A_800, %sub3A_803, %div3A_776 : vector<16x256xi1>, vector<16x256xi32>
      %eq3A_805 = arith.constant 9 : i32
      %eq3A_806 = vector.broadcast %eq3A_805 : i32 to vector<16x256xi32>
      %eq3A_807 = arith.cmpi eq, %select_n3A_804, %eq3A_806 : vector<16x256xi32>
      %jit3A_808 = arith.constant 16 : i32
      %eq3A_809 = arith.constant 0 : i32
      %eq3A_810 = arith.cmpi eq, %jit3A_808, %eq3A_809 : i32
      %jit3A_811 = arith.constant 1 : i32
      %select_n3A_812 = arith.select %eq3A_810, %jit3A_811, %jit3A_808 : i32
      %rem3A_813 = vector.broadcast %select_n3A_812 : i32 to vector<16x256xi32>
      %rem3A_814 = arith.remsi %iota3A_173, %rem3A_813 : vector<16x256xi32>
      %ne3A_815 = arith.constant 0 : i32
      %ne3A_816 = vector.broadcast %ne3A_815 : i32 to vector<16x256xi32>
      %ne3A_817 = arith.cmpi ne, %rem3A_814, %ne3A_816 : vector<16x256xi32>
      %lt3A_818 = arith.constant 0 : i32
      %lt3A_819 = vector.broadcast %lt3A_818 : i32 to vector<16x256xi32>
      %lt3A_820 = arith.cmpi slt, %rem3A_814, %lt3A_819 : vector<16x256xi32>
      %lt3A_821 = arith.constant 0 : i32
      %lt3A_822 = arith.cmpi slt, %select_n3A_812, %lt3A_821 : i32
      %ne3A_823 = vector.broadcast %lt3A_822 : i1 to vector<16x256xi1>
      %ne3A_824 = vector.broadcast %ne3A_823 : vector<16x256xi1> to vector<16x256xi1>
      %ne3A_825 = arith.xori %lt3A_820, %ne3A_824 : vector<16x256xi1>
      %and3A_826 = arith.andi %ne3A_825, %ne3A_817 : vector<16x256xi1>
      %add3A_827 = vector.broadcast %select_n3A_812 : i32 to vector<16x256xi32>
      %add3A_828 = arith.addi %rem3A_814, %add3A_827 : vector<16x256xi32>
      %select_n3A_829 = arith.select %and3A_826, %add3A_828, %rem3A_814 : vector<16x256xi1>, vector<16x256xi32>
      %eq3A_830 = arith.cmpi eq, %select_n3A_829, %iota3A_174 : vector<16x256xi32>
      %and3A_831 = arith.andi %eq3A_807, %eq3A_830 : vector<16x256xi1>
      %convert_element_type3A_832 = arith.extui %and3A_831 : vector<16x256xi1> to vector<16x256xi32>
      %convert_element_type3A_833 = arith.sitofp %convert_element_type3A_832 : vector<16x256xi32> to vector<16x256xf32>
      %dot_general3A_834 = arith.constant dense<0.000000e+00> : vector<16x256xf32>
      %dot_general3A_835 = tpu.matmul %dot_general3A_773, %convert_element_type3A_833, %dot_general3A_834 {dimension_numbers = #tpu.dot_dimension_numbers<[1], [0], [0], [1], [0, 0, 1, 1], [], []>, transpose_lhs_hint = false} : vector<16x16xf32>, vector<16x256xf32>, vector<16x256xf32> -> vector<16x256xf32>
      %add3A_836 = arith.addf %add3A_770, %dot_general3A_835 : vector<16x256xf32>
      %slice3A_837 = vector.extract_strided_slice %mul3A_166 {offsets = [160, 0], sizes = [16, 64], strides = [1, 1]} : vector<256x64xf32> to vector<16x64xf32>
      %dot_general3A_838 = arith.constant dense<0.000000e+00> : vector<16x16xf32>
      %dot_general3A_839 = tpu.matmul %slice3A_837, %get3A_172, %dot_general3A_838 {dimension_numbers = #tpu.dot_dimension_numbers<[1], [0], [0], [1], [0, 0, 1, 1], [], []>, transpose_lhs_hint = false} : vector<16x64xf32>, vector<64x16xf32>, vector<16x16xf32> -> vector<16x16xf32>
      %jit3A_840 = arith.constant 16 : i32
      %div3A_841 = vector.broadcast %jit3A_840 : i32 to vector<16x256xi32>
      %div3A_842 = arith.divsi %iota3A_173, %div3A_841 : vector<16x256xi32>
      %sign3A_843 = arith.constant 0 : i32
      %sign3A_844 = vector.broadcast %sign3A_843 : i32 to vector<16x256xi32>
      %sign3A_845 = arith.cmpi sgt, %iota3A_173, %sign3A_844 : vector<16x256xi32>
      %sign3A_846 = arith.extui %sign3A_845 : vector<16x256xi1> to vector<16x256xi32>
      %sign3A_847 = arith.constant 0 : i32
      %sign3A_848 = vector.broadcast %sign3A_847 : i32 to vector<16x256xi32>
      %sign3A_849 = arith.cmpi slt, %iota3A_173, %sign3A_848 : vector<16x256xi32>
      %sign3A_850 = arith.extui %sign3A_849 : vector<16x256xi1> to vector<16x256xi32>
      %sign3A_851 = arith.subi %sign3A_846, %sign3A_850 : vector<16x256xi32>
      %sign3A_852 = arith.constant 0 : i32
      %sign3A_853 = arith.cmpi sgt, %jit3A_840, %sign3A_852 : i32
      %sign3A_854 = arith.extui %sign3A_853 : i1 to i32
      %sign3A_855 = arith.constant 0 : i32
      %sign3A_856 = arith.cmpi slt, %jit3A_840, %sign3A_855 : i32
      %sign3A_857 = arith.extui %sign3A_856 : i1 to i32
      %sign3A_858 = arith.subi %sign3A_854, %sign3A_857 : i32
      %ne3A_859 = vector.broadcast %sign3A_858 : i32 to vector<16x256xi32>
      %ne3A_860 = arith.cmpi ne, %sign3A_851, %ne3A_859 : vector<16x256xi32>
      %rem3A_861 = vector.broadcast %jit3A_840 : i32 to vector<16x256xi32>
      %rem3A_862 = arith.remsi %iota3A_173, %rem3A_861 : vector<16x256xi32>
      %ne3A_863 = arith.constant 0 : i32
      %ne3A_864 = vector.broadcast %ne3A_863 : i32 to vector<16x256xi32>
      %ne3A_865 = arith.cmpi ne, %rem3A_862, %ne3A_864 : vector<16x256xi32>
      %and3A_866 = arith.andi %ne3A_860, %ne3A_865 : vector<16x256xi1>
      %sub3A_867 = arith.constant 1 : i32
      %sub3A_868 = vector.broadcast %sub3A_867 : i32 to vector<16x256xi32>
      %sub3A_869 = arith.subi %div3A_842, %sub3A_868 : vector<16x256xi32>
      %select_n3A_870 = arith.select %and3A_866, %sub3A_869, %div3A_842 : vector<16x256xi1>, vector<16x256xi32>
      %eq3A_871 = arith.constant 10 : i32
      %eq3A_872 = vector.broadcast %eq3A_871 : i32 to vector<16x256xi32>
      %eq3A_873 = arith.cmpi eq, %select_n3A_870, %eq3A_872 : vector<16x256xi32>
      %jit3A_874 = arith.constant 16 : i32
      %eq3A_875 = arith.constant 0 : i32
      %eq3A_876 = arith.cmpi eq, %jit3A_874, %eq3A_875 : i32
      %jit3A_877 = arith.constant 1 : i32
      %select_n3A_878 = arith.select %eq3A_876, %jit3A_877, %jit3A_874 : i32
      %rem3A_879 = vector.broadcast %select_n3A_878 : i32 to vector<16x256xi32>
      %rem3A_880 = arith.remsi %iota3A_173, %rem3A_879 : vector<16x256xi32>
      %ne3A_881 = arith.constant 0 : i32
      %ne3A_882 = vector.broadcast %ne3A_881 : i32 to vector<16x256xi32>
      %ne3A_883 = arith.cmpi ne, %rem3A_880, %ne3A_882 : vector<16x256xi32>
      %lt3A_884 = arith.constant 0 : i32
      %lt3A_885 = vector.broadcast %lt3A_884 : i32 to vector<16x256xi32>
      %lt3A_886 = arith.cmpi slt, %rem3A_880, %lt3A_885 : vector<16x256xi32>
      %lt3A_887 = arith.constant 0 : i32
      %lt3A_888 = arith.cmpi slt, %select_n3A_878, %lt3A_887 : i32
      %ne3A_889 = vector.broadcast %lt3A_888 : i1 to vector<16x256xi1>
      %ne3A_890 = vector.broadcast %ne3A_889 : vector<16x256xi1> to vector<16x256xi1>
      %ne3A_891 = arith.xori %lt3A_886, %ne3A_890 : vector<16x256xi1>
      %and3A_892 = arith.andi %ne3A_891, %ne3A_883 : vector<16x256xi1>
      %add3A_893 = vector.broadcast %select_n3A_878 : i32 to vector<16x256xi32>
      %add3A_894 = arith.addi %rem3A_880, %add3A_893 : vector<16x256xi32>
      %select_n3A_895 = arith.select %and3A_892, %add3A_894, %rem3A_880 : vector<16x256xi1>, vector<16x256xi32>
      %eq3A_896 = arith.cmpi eq, %select_n3A_895, %iota3A_174 : vector<16x256xi32>
      %and3A_897 = arith.andi %eq3A_873, %eq3A_896 : vector<16x256xi1>
      %convert_element_type3A_898 = arith.extui %and3A_897 : vector<16x256xi1> to vector<16x256xi32>
      %convert_element_type3A_899 = arith.sitofp %convert_element_type3A_898 : vector<16x256xi32> to vector<16x256xf32>
      %dot_general3A_900 = arith.constant dense<0.000000e+00> : vector<16x256xf32>
      %dot_general3A_901 = tpu.matmul %dot_general3A_839, %convert_element_type3A_899, %dot_general3A_900 {dimension_numbers = #tpu.dot_dimension_numbers<[1], [0], [0], [1], [0, 0, 1, 1], [], []>, transpose_lhs_hint = false} : vector<16x16xf32>, vector<16x256xf32>, vector<16x256xf32> -> vector<16x256xf32>
      %add3A_902 = arith.addf %add3A_836, %dot_general3A_901 : vector<16x256xf32>
      %slice3A_903 = vector.extract_strided_slice %mul3A_166 {offsets = [176, 0], sizes = [16, 64], strides = [1, 1]} : vector<256x64xf32> to vector<16x64xf32>
      %dot_general3A_904 = arith.constant dense<0.000000e+00> : vector<16x16xf32>
      %dot_general3A_905 = tpu.matmul %slice3A_903, %get3A_172, %dot_general3A_904 {dimension_numbers = #tpu.dot_dimension_numbers<[1], [0], [0], [1], [0, 0, 1, 1], [], []>, transpose_lhs_hint = false} : vector<16x64xf32>, vector<64x16xf32>, vector<16x16xf32> -> vector<16x16xf32>
      %jit3A_906 = arith.constant 16 : i32
      %div3A_907 = vector.broadcast %jit3A_906 : i32 to vector<16x256xi32>
      %div3A_908 = arith.divsi %iota3A_173, %div3A_907 : vector<16x256xi32>
      %sign3A_909 = arith.constant 0 : i32
      %sign3A_910 = vector.broadcast %sign3A_909 : i32 to vector<16x256xi32>
      %sign3A_911 = arith.cmpi sgt, %iota3A_173, %sign3A_910 : vector<16x256xi32>
      %sign3A_912 = arith.extui %sign3A_911 : vector<16x256xi1> to vector<16x256xi32>
      %sign3A_913 = arith.constant 0 : i32
      %sign3A_914 = vector.broadcast %sign3A_913 : i32 to vector<16x256xi32>
      %sign3A_915 = arith.cmpi slt, %iota3A_173, %sign3A_914 : vector<16x256xi32>
      %sign3A_916 = arith.extui %sign3A_915 : vector<16x256xi1> to vector<16x256xi32>
      %sign3A_917 = arith.subi %sign3A_912, %sign3A_916 : vector<16x256xi32>
      %sign3A_918 = arith.constant 0 : i32
      %sign3A_919 = arith.cmpi sgt, %jit3A_906, %sign3A_918 : i32
      %sign3A_920 = arith.extui %sign3A_919 : i1 to i32
      %sign3A_921 = arith.constant 0 : i32
      %sign3A_922 = arith.cmpi slt, %jit3A_906, %sign3A_921 : i32
      %sign3A_923 = arith.extui %sign3A_922 : i1 to i32
      %sign3A_924 = arith.subi %sign3A_920, %sign3A_923 : i32
      %ne3A_925 = vector.broadcast %sign3A_924 : i32 to vector<16x256xi32>
      %ne3A_926 = arith.cmpi ne, %sign3A_917, %ne3A_925 : vector<16x256xi32>
      %rem3A_927 = vector.broadcast %jit3A_906 : i32 to vector<16x256xi32>
      %rem3A_928 = arith.remsi %iota3A_173, %rem3A_927 : vector<16x256xi32>
      %ne3A_929 = arith.constant 0 : i32
      %ne3A_930 = vector.broadcast %ne3A_929 : i32 to vector<16x256xi32>
      %ne3A_931 = arith.cmpi ne, %rem3A_928, %ne3A_930 : vector<16x256xi32>
      %and3A_932 = arith.andi %ne3A_926, %ne3A_931 : vector<16x256xi1>
      %sub3A_933 = arith.constant 1 : i32
      %sub3A_934 = vector.broadcast %sub3A_933 : i32 to vector<16x256xi32>
      %sub3A_935 = arith.subi %div3A_908, %sub3A_934 : vector<16x256xi32>
      %select_n3A_936 = arith.select %and3A_932, %sub3A_935, %div3A_908 : vector<16x256xi1>, vector<16x256xi32>
      %eq3A_937 = arith.constant 11 : i32
      %eq3A_938 = vector.broadcast %eq3A_937 : i32 to vector<16x256xi32>
      %eq3A_939 = arith.cmpi eq, %select_n3A_936, %eq3A_938 : vector<16x256xi32>
      %jit3A_940 = arith.constant 16 : i32
      %eq3A_941 = arith.constant 0 : i32
      %eq3A_942 = arith.cmpi eq, %jit3A_940, %eq3A_941 : i32
      %jit3A_943 = arith.constant 1 : i32
      %select_n3A_944 = arith.select %eq3A_942, %jit3A_943, %jit3A_940 : i32
      %rem3A_945 = vector.broadcast %select_n3A_944 : i32 to vector<16x256xi32>
      %rem3A_946 = arith.remsi %iota3A_173, %rem3A_945 : vector<16x256xi32>
      %ne3A_947 = arith.constant 0 : i32
      %ne3A_948 = vector.broadcast %ne3A_947 : i32 to vector<16x256xi32>
      %ne3A_949 = arith.cmpi ne, %rem3A_946, %ne3A_948 : vector<16x256xi32>
      %lt3A_950 = arith.constant 0 : i32
      %lt3A_951 = vector.broadcast %lt3A_950 : i32 to vector<16x256xi32>
      %lt3A_952 = arith.cmpi slt, %rem3A_946, %lt3A_951 : vector<16x256xi32>
      %lt3A_953 = arith.constant 0 : i32
      %lt3A_954 = arith.cmpi slt, %select_n3A_944, %lt3A_953 : i32
      %ne3A_955 = vector.broadcast %lt3A_954 : i1 to vector<16x256xi1>
      %ne3A_956 = vector.broadcast %ne3A_955 : vector<16x256xi1> to vector<16x256xi1>
      %ne3A_957 = arith.xori %lt3A_952, %ne3A_956 : vector<16x256xi1>
      %and3A_958 = arith.andi %ne3A_957, %ne3A_949 : vector<16x256xi1>
      %add3A_959 = vector.broadcast %select_n3A_944 : i32 to vector<16x256xi32>
      %add3A_960 = arith.addi %rem3A_946, %add3A_959 : vector<16x256xi32>
      %select_n3A_961 = arith.select %and3A_958, %add3A_960, %rem3A_946 : vector<16x256xi1>, vector<16x256xi32>
      %eq3A_962 = arith.cmpi eq, %select_n3A_961, %iota3A_174 : vector<16x256xi32>
      %and3A_963 = arith.andi %eq3A_939, %eq3A_962 : vector<16x256xi1>
      %convert_element_type3A_964 = arith.extui %and3A_963 : vector<16x256xi1> to vector<16x256xi32>
      %convert_element_type3A_965 = arith.sitofp %convert_element_type3A_964 : vector<16x256xi32> to vector<16x256xf32>
      %dot_general3A_966 = arith.constant dense<0.000000e+00> : vector<16x256xf32>
      %dot_general3A_967 = tpu.matmul %dot_general3A_905, %convert_element_type3A_965, %dot_general3A_966 {dimension_numbers = #tpu.dot_dimension_numbers<[1], [0], [0], [1], [0, 0, 1, 1], [], []>, transpose_lhs_hint = false} : vector<16x16xf32>, vector<16x256xf32>, vector<16x256xf32> -> vector<16x256xf32>
      %add3A_968 = arith.addf %add3A_902, %dot_general3A_967 : vector<16x256xf32>
      %slice3A_969 = vector.extract_strided_slice %mul3A_166 {offsets = [192, 0], sizes = [16, 64], strides = [1, 1]} : vector<256x64xf32> to vector<16x64xf32>
      %dot_general3A_970 = arith.constant dense<0.000000e+00> : vector<16x16xf32>
      %dot_general3A_971 = tpu.matmul %slice3A_969, %get3A_172, %dot_general3A_970 {dimension_numbers = #tpu.dot_dimension_numbers<[1], [0], [0], [1], [0, 0, 1, 1], [], []>, transpose_lhs_hint = false} : vector<16x64xf32>, vector<64x16xf32>, vector<16x16xf32> -> vector<16x16xf32>
      %jit3A_972 = arith.constant 16 : i32
      %div3A_973 = vector.broadcast %jit3A_972 : i32 to vector<16x256xi32>
      %div3A_974 = arith.divsi %iota3A_173, %div3A_973 : vector<16x256xi32>
      %sign3A_975 = arith.constant 0 : i32
      %sign3A_976 = vector.broadcast %sign3A_975 : i32 to vector<16x256xi32>
      %sign3A_977 = arith.cmpi sgt, %iota3A_173, %sign3A_976 : vector<16x256xi32>
      %sign3A_978 = arith.extui %sign3A_977 : vector<16x256xi1> to vector<16x256xi32>
      %sign3A_979 = arith.constant 0 : i32
      %sign3A_980 = vector.broadcast %sign3A_979 : i32 to vector<16x256xi32>
      %sign3A_981 = arith.cmpi slt, %iota3A_173, %sign3A_980 : vector<16x256xi32>
      %sign3A_982 = arith.extui %sign3A_981 : vector<16x256xi1> to vector<16x256xi32>
      %sign3A_983 = arith.subi %sign3A_978, %sign3A_982 : vector<16x256xi32>
      %sign3A_984 = arith.constant 0 : i32
      %sign3A_985 = arith.cmpi sgt, %jit3A_972, %sign3A_984 : i32
      %sign3A_986 = arith.extui %sign3A_985 : i1 to i32
      %sign3A_987 = arith.constant 0 : i32
      %sign3A_988 = arith.cmpi slt, %jit3A_972, %sign3A_987 : i32
      %sign3A_989 = arith.extui %sign3A_988 : i1 to i32
      %sign3A_990 = arith.subi %sign3A_986, %sign3A_989 : i32
      %ne3A_991 = vector.broadcast %sign3A_990 : i32 to vector<16x256xi32>
      %ne3A_992 = arith.cmpi ne, %sign3A_983, %ne3A_991 : vector<16x256xi32>
      %rem3A_993 = vector.broadcast %jit3A_972 : i32 to vector<16x256xi32>
      %rem3A_994 = arith.remsi %iota3A_173, %rem3A_993 : vector<16x256xi32>
      %ne3A_995 = arith.constant 0 : i32
      %ne3A_996 = vector.broadcast %ne3A_995 : i32 to vector<16x256xi32>
      %ne3A_997 = arith.cmpi ne, %rem3A_994, %ne3A_996 : vector<16x256xi32>
      %and3A_998 = arith.andi %ne3A_992, %ne3A_997 : vector<16x256xi1>
      %sub3A_999 = arith.constant 1 : i32
      %sub3A_1000 = vector.broadcast %sub3A_999 : i32 to vector<16x256xi32>
      %sub3A_1001 = arith.subi %div3A_974, %sub3A_1000 : vector<16x256xi32>
      %select_n3A_1002 = arith.select %and3A_998, %sub3A_1001, %div3A_974 : vector<16x256xi1>, vector<16x256xi32>
      %eq3A_1003 = arith.constant 12 : i32
      %eq3A_1004 = vector.broadcast %eq3A_1003 : i32 to vector<16x256xi32>
      %eq3A_1005 = arith.cmpi eq, %select_n3A_1002, %eq3A_1004 : vector<16x256xi32>
      %jit3A_1006 = arith.constant 16 : i32
      %eq3A_1007 = arith.constant 0 : i32
      %eq3A_1008 = arith.cmpi eq, %jit3A_1006, %eq3A_1007 : i32
      %jit3A_1009 = arith.constant 1 : i32
      %select_n3A_1010 = arith.select %eq3A_1008, %jit3A_1009, %jit3A_1006 : i32
      %rem3A_1011 = vector.broadcast %select_n3A_1010 : i32 to vector<16x256xi32>
      %rem3A_1012 = arith.remsi %iota3A_173, %rem3A_1011 : vector<16x256xi32>
      %ne3A_1013 = arith.constant 0 : i32
      %ne3A_1014 = vector.broadcast %ne3A_1013 : i32 to vector<16x256xi32>
      %ne3A_1015 = arith.cmpi ne, %rem3A_1012, %ne3A_1014 : vector<16x256xi32>
      %lt3A_1016 = arith.constant 0 : i32
      %lt3A_1017 = vector.broadcast %lt3A_1016 : i32 to vector<16x256xi32>
      %lt3A_1018 = arith.cmpi slt, %rem3A_1012, %lt3A_1017 : vector<16x256xi32>
      %lt3A_1019 = arith.constant 0 : i32
      %lt3A_1020 = arith.cmpi slt, %select_n3A_1010, %lt3A_1019 : i32
      %ne3A_1021 = vector.broadcast %lt3A_1020 : i1 to vector<16x256xi1>
      %ne3A_1022 = vector.broadcast %ne3A_1021 : vector<16x256xi1> to vector<16x256xi1>
      %ne3A_1023 = arith.xori %lt3A_1018, %ne3A_1022 : vector<16x256xi1>
      %and3A_1024 = arith.andi %ne3A_1023, %ne3A_1015 : vector<16x256xi1>
      %add3A_1025 = vector.broadcast %select_n3A_1010 : i32 to vector<16x256xi32>
      %add3A_1026 = arith.addi %rem3A_1012, %add3A_1025 : vector<16x256xi32>
      %select_n3A_1027 = arith.select %and3A_1024, %add3A_1026, %rem3A_1012 : vector<16x256xi1>, vector<16x256xi32>
      %eq3A_1028 = arith.cmpi eq, %select_n3A_1027, %iota3A_174 : vector<16x256xi32>
      %and3A_1029 = arith.andi %eq3A_1005, %eq3A_1028 : vector<16x256xi1>
      %convert_element_type3A_1030 = arith.extui %and3A_1029 : vector<16x256xi1> to vector<16x256xi32>
      %convert_element_type3A_1031 = arith.sitofp %convert_element_type3A_1030 : vector<16x256xi32> to vector<16x256xf32>
      %dot_general3A_1032 = arith.constant dense<0.000000e+00> : vector<16x256xf32>
      %dot_general3A_1033 = tpu.matmul %dot_general3A_971, %convert_element_type3A_1031, %dot_general3A_1032 {dimension_numbers = #tpu.dot_dimension_numbers<[1], [0], [0], [1], [0, 0, 1, 1], [], []>, transpose_lhs_hint = false} : vector<16x16xf32>, vector<16x256xf32>, vector<16x256xf32> -> vector<16x256xf32>
      %add3A_1034 = arith.addf %add3A_968, %dot_general3A_1033 : vector<16x256xf32>
      %slice3A_1035 = vector.extract_strided_slice %mul3A_166 {offsets = [208, 0], sizes = [16, 64], strides = [1, 1]} : vector<256x64xf32> to vector<16x64xf32>
      %dot_general3A_1036 = arith.constant dense<0.000000e+00> : vector<16x16xf32>
      %dot_general3A_1037 = tpu.matmul %slice3A_1035, %get3A_172, %dot_general3A_1036 {dimension_numbers = #tpu.dot_dimension_numbers<[1], [0], [0], [1], [0, 0, 1, 1], [], []>, transpose_lhs_hint = false} : vector<16x64xf32>, vector<64x16xf32>, vector<16x16xf32> -> vector<16x16xf32>
      %jit3A_1038 = arith.constant 16 : i32
      %div3A_1039 = vector.broadcast %jit3A_1038 : i32 to vector<16x256xi32>
      %div3A_1040 = arith.divsi %iota3A_173, %div3A_1039 : vector<16x256xi32>
      %sign3A_1041 = arith.constant 0 : i32
      %sign3A_1042 = vector.broadcast %sign3A_1041 : i32 to vector<16x256xi32>
      %sign3A_1043 = arith.cmpi sgt, %iota3A_173, %sign3A_1042 : vector<16x256xi32>
      %sign3A_1044 = arith.extui %sign3A_1043 : vector<16x256xi1> to vector<16x256xi32>
      %sign3A_1045 = arith.constant 0 : i32
      %sign3A_1046 = vector.broadcast %sign3A_1045 : i32 to vector<16x256xi32>
      %sign3A_1047 = arith.cmpi slt, %iota3A_173, %sign3A_1046 : vector<16x256xi32>
      %sign3A_1048 = arith.extui %sign3A_1047 : vector<16x256xi1> to vector<16x256xi32>
      %sign3A_1049 = arith.subi %sign3A_1044, %sign3A_1048 : vector<16x256xi32>
      %sign3A_1050 = arith.constant 0 : i32
      %sign3A_1051 = arith.cmpi sgt, %jit3A_1038, %sign3A_1050 : i32
      %sign3A_1052 = arith.extui %sign3A_1051 : i1 to i32
      %sign3A_1053 = arith.constant 0 : i32
      %sign3A_1054 = arith.cmpi slt, %jit3A_1038, %sign3A_1053 : i32
      %sign3A_1055 = arith.extui %sign3A_1054 : i1 to i32
      %sign3A_1056 = arith.subi %sign3A_1052, %sign3A_1055 : i32
      %ne3A_1057 = vector.broadcast %sign3A_1056 : i32 to vector<16x256xi32>
      %ne3A_1058 = arith.cmpi ne, %sign3A_1049, %ne3A_1057 : vector<16x256xi32>
      %rem3A_1059 = vector.broadcast %jit3A_1038 : i32 to vector<16x256xi32>
      %rem3A_1060 = arith.remsi %iota3A_173, %rem3A_1059 : vector<16x256xi32>
      %ne3A_1061 = arith.constant 0 : i32
      %ne3A_1062 = vector.broadcast %ne3A_1061 : i32 to vector<16x256xi32>
      %ne3A_1063 = arith.cmpi ne, %rem3A_1060, %ne3A_1062 : vector<16x256xi32>
      %and3A_1064 = arith.andi %ne3A_1058, %ne3A_1063 : vector<16x256xi1>
      %sub3A_1065 = arith.constant 1 : i32
      %sub3A_1066 = vector.broadcast %sub3A_1065 : i32 to vector<16x256xi32>
      %sub3A_1067 = arith.subi %div3A_1040, %sub3A_1066 : vector<16x256xi32>
      %select_n3A_1068 = arith.select %and3A_1064, %sub3A_1067, %div3A_1040 : vector<16x256xi1>, vector<16x256xi32>
      %eq3A_1069 = arith.constant 13 : i32
      %eq3A_1070 = vector.broadcast %eq3A_1069 : i32 to vector<16x256xi32>
      %eq3A_1071 = arith.cmpi eq, %select_n3A_1068, %eq3A_1070 : vector<16x256xi32>
      %jit3A_1072 = arith.constant 16 : i32
      %eq3A_1073 = arith.constant 0 : i32
      %eq3A_1074 = arith.cmpi eq, %jit3A_1072, %eq3A_1073 : i32
      %jit3A_1075 = arith.constant 1 : i32
      %select_n3A_1076 = arith.select %eq3A_1074, %jit3A_1075, %jit3A_1072 : i32
      %rem3A_1077 = vector.broadcast %select_n3A_1076 : i32 to vector<16x256xi32>
      %rem3A_1078 = arith.remsi %iota3A_173, %rem3A_1077 : vector<16x256xi32>
      %ne3A_1079 = arith.constant 0 : i32
      %ne3A_1080 = vector.broadcast %ne3A_1079 : i32 to vector<16x256xi32>
      %ne3A_1081 = arith.cmpi ne, %rem3A_1078, %ne3A_1080 : vector<16x256xi32>
      %lt3A_1082 = arith.constant 0 : i32
      %lt3A_1083 = vector.broadcast %lt3A_1082 : i32 to vector<16x256xi32>
      %lt3A_1084 = arith.cmpi slt, %rem3A_1078, %lt3A_1083 : vector<16x256xi32>
      %lt3A_1085 = arith.constant 0 : i32
      %lt3A_1086 = arith.cmpi slt, %select_n3A_1076, %lt3A_1085 : i32
      %ne3A_1087 = vector.broadcast %lt3A_1086 : i1 to vector<16x256xi1>
      %ne3A_1088 = vector.broadcast %ne3A_1087 : vector<16x256xi1> to vector<16x256xi1>
      %ne3A_1089 = arith.xori %lt3A_1084, %ne3A_1088 : vector<16x256xi1>
      %and3A_1090 = arith.andi %ne3A_1089, %ne3A_1081 : vector<16x256xi1>
      %add3A_1091 = vector.broadcast %select_n3A_1076 : i32 to vector<16x256xi32>
      %add3A_1092 = arith.addi %rem3A_1078, %add3A_1091 : vector<16x256xi32>
      %select_n3A_1093 = arith.select %and3A_1090, %add3A_1092, %rem3A_1078 : vector<16x256xi1>, vector<16x256xi32>
      %eq3A_1094 = arith.cmpi eq, %select_n3A_1093, %iota3A_174 : vector<16x256xi32>
      %and3A_1095 = arith.andi %eq3A_1071, %eq3A_1094 : vector<16x256xi1>
      %convert_element_type3A_1096 = arith.extui %and3A_1095 : vector<16x256xi1> to vector<16x256xi32>
      %convert_element_type3A_1097 = arith.sitofp %convert_element_type3A_1096 : vector<16x256xi32> to vector<16x256xf32>
      %dot_general3A_1098 = arith.constant dense<0.000000e+00> : vector<16x256xf32>
      %dot_general3A_1099 = tpu.matmul %dot_general3A_1037, %convert_element_type3A_1097, %dot_general3A_1098 {dimension_numbers = #tpu.dot_dimension_numbers<[1], [0], [0], [1], [0, 0, 1, 1], [], []>, transpose_lhs_hint = false} : vector<16x16xf32>, vector<16x256xf32>, vector<16x256xf32> -> vector<16x256xf32>
      %add3A_1100 = arith.addf %add3A_1034, %dot_general3A_1099 : vector<16x256xf32>
      %slice3A_1101 = vector.extract_strided_slice %mul3A_166 {offsets = [224, 0], sizes = [16, 64], strides = [1, 1]} : vector<256x64xf32> to vector<16x64xf32>
      %dot_general3A_1102 = arith.constant dense<0.000000e+00> : vector<16x16xf32>
      %dot_general3A_1103 = tpu.matmul %slice3A_1101, %get3A_172, %dot_general3A_1102 {dimension_numbers = #tpu.dot_dimension_numbers<[1], [0], [0], [1], [0, 0, 1, 1], [], []>, transpose_lhs_hint = false} : vector<16x64xf32>, vector<64x16xf32>, vector<16x16xf32> -> vector<16x16xf32>
      %jit3A_1104 = arith.constant 16 : i32
      %div3A_1105 = vector.broadcast %jit3A_1104 : i32 to vector<16x256xi32>
      %div3A_1106 = arith.divsi %iota3A_173, %div3A_1105 : vector<16x256xi32>
      %sign3A_1107 = arith.constant 0 : i32
      %sign3A_1108 = vector.broadcast %sign3A_1107 : i32 to vector<16x256xi32>
      %sign3A_1109 = arith.cmpi sgt, %iota3A_173, %sign3A_1108 : vector<16x256xi32>
      %sign3A_1110 = arith.extui %sign3A_1109 : vector<16x256xi1> to vector<16x256xi32>
      %sign3A_1111 = arith.constant 0 : i32
      %sign3A_1112 = vector.broadcast %sign3A_1111 : i32 to vector<16x256xi32>
      %sign3A_1113 = arith.cmpi slt, %iota3A_173, %sign3A_1112 : vector<16x256xi32>
      %sign3A_1114 = arith.extui %sign3A_1113 : vector<16x256xi1> to vector<16x256xi32>
      %sign3A_1115 = arith.subi %sign3A_1110, %sign3A_1114 : vector<16x256xi32>
      %sign3A_1116 = arith.constant 0 : i32
      %sign3A_1117 = arith.cmpi sgt, %jit3A_1104, %sign3A_1116 : i32
      %sign3A_1118 = arith.extui %sign3A_1117 : i1 to i32
      %sign3A_1119 = arith.constant 0 : i32
      %sign3A_1120 = arith.cmpi slt, %jit3A_1104, %sign3A_1119 : i32
      %sign3A_1121 = arith.extui %sign3A_1120 : i1 to i32
      %sign3A_1122 = arith.subi %sign3A_1118, %sign3A_1121 : i32
      %ne3A_1123 = vector.broadcast %sign3A_1122 : i32 to vector<16x256xi32>
      %ne3A_1124 = arith.cmpi ne, %sign3A_1115, %ne3A_1123 : vector<16x256xi32>
      %rem3A_1125 = vector.broadcast %jit3A_1104 : i32 to vector<16x256xi32>
      %rem3A_1126 = arith.remsi %iota3A_173, %rem3A_1125 : vector<16x256xi32>
      %ne3A_1127 = arith.constant 0 : i32
      %ne3A_1128 = vector.broadcast %ne3A_1127 : i32 to vector<16x256xi32>
      %ne3A_1129 = arith.cmpi ne, %rem3A_1126, %ne3A_1128 : vector<16x256xi32>
      %and3A_1130 = arith.andi %ne3A_1124, %ne3A_1129 : vector<16x256xi1>
      %sub3A_1131 = arith.constant 1 : i32
      %sub3A_1132 = vector.broadcast %sub3A_1131 : i32 to vector<16x256xi32>
      %sub3A_1133 = arith.subi %div3A_1106, %sub3A_1132 : vector<16x256xi32>
      %select_n3A_1134 = arith.select %and3A_1130, %sub3A_1133, %div3A_1106 : vector<16x256xi1>, vector<16x256xi32>
      %eq3A_1135 = arith.constant 14 : i32
      %eq3A_1136 = vector.broadcast %eq3A_1135 : i32 to vector<16x256xi32>
      %eq3A_1137 = arith.cmpi eq, %select_n3A_1134, %eq3A_1136 : vector<16x256xi32>
      %jit3A_1138 = arith.constant 16 : i32
      %eq3A_1139 = arith.constant 0 : i32
      %eq3A_1140 = arith.cmpi eq, %jit3A_1138, %eq3A_1139 : i32
      %jit3A_1141 = arith.constant 1 : i32
      %select_n3A_1142 = arith.select %eq3A_1140, %jit3A_1141, %jit3A_1138 : i32
      %rem3A_1143 = vector.broadcast %select_n3A_1142 : i32 to vector<16x256xi32>
      %rem3A_1144 = arith.remsi %iota3A_173, %rem3A_1143 : vector<16x256xi32>
      %ne3A_1145 = arith.constant 0 : i32
      %ne3A_1146 = vector.broadcast %ne3A_1145 : i32 to vector<16x256xi32>
      %ne3A_1147 = arith.cmpi ne, %rem3A_1144, %ne3A_1146 : vector<16x256xi32>
      %lt3A_1148 = arith.constant 0 : i32
      %lt3A_1149 = vector.broadcast %lt3A_1148 : i32 to vector<16x256xi32>
      %lt3A_1150 = arith.cmpi slt, %rem3A_1144, %lt3A_1149 : vector<16x256xi32>
      %lt3A_1151 = arith.constant 0 : i32
      %lt3A_1152 = arith.cmpi slt, %select_n3A_1142, %lt3A_1151 : i32
      %ne3A_1153 = vector.broadcast %lt3A_1152 : i1 to vector<16x256xi1>
      %ne3A_1154 = vector.broadcast %ne3A_1153 : vector<16x256xi1> to vector<16x256xi1>
      %ne3A_1155 = arith.xori %lt3A_1150, %ne3A_1154 : vector<16x256xi1>
      %and3A_1156 = arith.andi %ne3A_1155, %ne3A_1147 : vector<16x256xi1>
      %add3A_1157 = vector.broadcast %select_n3A_1142 : i32 to vector<16x256xi32>
      %add3A_1158 = arith.addi %rem3A_1144, %add3A_1157 : vector<16x256xi32>
      %select_n3A_1159 = arith.select %and3A_1156, %add3A_1158, %rem3A_1144 : vector<16x256xi1>, vector<16x256xi32>
      %eq3A_1160 = arith.cmpi eq, %select_n3A_1159, %iota3A_174 : vector<16x256xi32>
      %and3A_1161 = arith.andi %eq3A_1137, %eq3A_1160 : vector<16x256xi1>
      %convert_element_type3A_1162 = arith.extui %and3A_1161 : vector<16x256xi1> to vector<16x256xi32>
      %convert_element_type3A_1163 = arith.sitofp %convert_element_type3A_1162 : vector<16x256xi32> to vector<16x256xf32>
      %dot_general3A_1164 = arith.constant dense<0.000000e+00> : vector<16x256xf32>
      %dot_general3A_1165 = tpu.matmul %dot_general3A_1103, %convert_element_type3A_1163, %dot_general3A_1164 {dimension_numbers = #tpu.dot_dimension_numbers<[1], [0], [0], [1], [0, 0, 1, 1], [], []>, transpose_lhs_hint = false} : vector<16x16xf32>, vector<16x256xf32>, vector<16x256xf32> -> vector<16x256xf32>
      %add3A_1166 = arith.addf %add3A_1100, %dot_general3A_1165 : vector<16x256xf32>
      %slice3A_1167 = vector.extract_strided_slice %mul3A_166 {offsets = [240, 0], sizes = [16, 64], strides = [1, 1]} : vector<256x64xf32> to vector<16x64xf32>
      %dot_general3A_1168 = arith.constant dense<0.000000e+00> : vector<16x16xf32>
      %dot_general3A_1169 = tpu.matmul %slice3A_1167, %get3A_172, %dot_general3A_1168 {dimension_numbers = #tpu.dot_dimension_numbers<[1], [0], [0], [1], [0, 0, 1, 1], [], []>, transpose_lhs_hint = false} : vector<16x64xf32>, vector<64x16xf32>, vector<16x16xf32> -> vector<16x16xf32>
      %jit3A_1170 = arith.constant 16 : i32
      %div3A_1171 = vector.broadcast %jit3A_1170 : i32 to vector<16x256xi32>
      %div3A_1172 = arith.divsi %iota3A_173, %div3A_1171 : vector<16x256xi32>
      %sign3A_1173 = arith.constant 0 : i32
      %sign3A_1174 = vector.broadcast %sign3A_1173 : i32 to vector<16x256xi32>
      %sign3A_1175 = arith.cmpi sgt, %iota3A_173, %sign3A_1174 : vector<16x256xi32>
      %sign3A_1176 = arith.extui %sign3A_1175 : vector<16x256xi1> to vector<16x256xi32>
      %sign3A_1177 = arith.constant 0 : i32
      %sign3A_1178 = vector.broadcast %sign3A_1177 : i32 to vector<16x256xi32>
      %sign3A_1179 = arith.cmpi slt, %iota3A_173, %sign3A_1178 : vector<16x256xi32>
      %sign3A_1180 = arith.extui %sign3A_1179 : vector<16x256xi1> to vector<16x256xi32>
      %sign3A_1181 = arith.subi %sign3A_1176, %sign3A_1180 : vector<16x256xi32>
      %sign3A_1182 = arith.constant 0 : i32
      %sign3A_1183 = arith.cmpi sgt, %jit3A_1170, %sign3A_1182 : i32
      %sign3A_1184 = arith.extui %sign3A_1183 : i1 to i32
      %sign3A_1185 = arith.constant 0 : i32
      %sign3A_1186 = arith.cmpi slt, %jit3A_1170, %sign3A_1185 : i32
      %sign3A_1187 = arith.extui %sign3A_1186 : i1 to i32
      %sign3A_1188 = arith.subi %sign3A_1184, %sign3A_1187 : i32
      %ne3A_1189 = vector.broadcast %sign3A_1188 : i32 to vector<16x256xi32>
      %ne3A_1190 = arith.cmpi ne, %sign3A_1181, %ne3A_1189 : vector<16x256xi32>
      %rem3A_1191 = vector.broadcast %jit3A_1170 : i32 to vector<16x256xi32>
      %rem3A_1192 = arith.remsi %iota3A_173, %rem3A_1191 : vector<16x256xi32>
      %ne3A_1193 = arith.constant 0 : i32
      %ne3A_1194 = vector.broadcast %ne3A_1193 : i32 to vector<16x256xi32>
      %ne3A_1195 = arith.cmpi ne, %rem3A_1192, %ne3A_1194 : vector<16x256xi32>
      %and3A_1196 = arith.andi %ne3A_1190, %ne3A_1195 : vector<16x256xi1>
      %sub3A_1197 = arith.constant 1 : i32
      %sub3A_1198 = vector.broadcast %sub3A_1197 : i32 to vector<16x256xi32>
      %sub3A_1199 = arith.subi %div3A_1172, %sub3A_1198 : vector<16x256xi32>
      %select_n3A_1200 = arith.select %and3A_1196, %sub3A_1199, %div3A_1172 : vector<16x256xi1>, vector<16x256xi32>
      %eq3A_1201 = arith.constant 15 : i32
      %eq3A_1202 = vector.broadcast %eq3A_1201 : i32 to vector<16x256xi32>
      %eq3A_1203 = arith.cmpi eq, %select_n3A_1200, %eq3A_1202 : vector<16x256xi32>
      %jit3A_1204 = arith.constant 16 : i32
      %eq3A_1205 = arith.constant 0 : i32
      %eq3A_1206 = arith.cmpi eq, %jit3A_1204, %eq3A_1205 : i32
      %jit3A_1207 = arith.constant 1 : i32
      %select_n3A_1208 = arith.select %eq3A_1206, %jit3A_1207, %jit3A_1204 : i32
      %rem3A_1209 = vector.broadcast %select_n3A_1208 : i32 to vector<16x256xi32>
      %rem3A_1210 = arith.remsi %iota3A_173, %rem3A_1209 : vector<16x256xi32>
      %ne3A_1211 = arith.constant 0 : i32
      %ne3A_1212 = vector.broadcast %ne3A_1211 : i32 to vector<16x256xi32>
      %ne3A_1213 = arith.cmpi ne, %rem3A_1210, %ne3A_1212 : vector<16x256xi32>
      %lt3A_1214 = arith.constant 0 : i32
      %lt3A_1215 = vector.broadcast %lt3A_1214 : i32 to vector<16x256xi32>
      %lt3A_1216 = arith.cmpi slt, %rem3A_1210, %lt3A_1215 : vector<16x256xi32>
      %lt3A_1217 = arith.constant 0 : i32
      %lt3A_1218 = arith.cmpi slt, %select_n3A_1208, %lt3A_1217 : i32
      %ne3A_1219 = vector.broadcast %lt3A_1218 : i1 to vector<16x256xi1>
      %ne3A_1220 = vector.broadcast %ne3A_1219 : vector<16x256xi1> to vector<16x256xi1>
      %ne3A_1221 = arith.xori %lt3A_1216, %ne3A_1220 : vector<16x256xi1>
      %and3A_1222 = arith.andi %ne3A_1221, %ne3A_1213 : vector<16x256xi1>
      %add3A_1223 = vector.broadcast %select_n3A_1208 : i32 to vector<16x256xi32>
      %add3A_1224 = arith.addi %rem3A_1210, %add3A_1223 : vector<16x256xi32>
      %select_n3A_1225 = arith.select %and3A_1222, %add3A_1224, %rem3A_1210 : vector<16x256xi1>, vector<16x256xi32>
      %eq3A_1226 = arith.cmpi eq, %select_n3A_1225, %iota3A_174 : vector<16x256xi32>
      %and3A_1227 = arith.andi %eq3A_1203, %eq3A_1226 : vector<16x256xi1>
      %convert_element_type3A_1228 = arith.extui %and3A_1227 : vector<16x256xi1> to vector<16x256xi32>
      %convert_element_type3A_1229 = arith.sitofp %convert_element_type3A_1228 : vector<16x256xi32> to vector<16x256xf32>
      %dot_general3A_1230 = arith.constant dense<0.000000e+00> : vector<16x256xf32>
      %dot_general3A_1231 = tpu.matmul %dot_general3A_1169, %convert_element_type3A_1229, %dot_general3A_1230 {dimension_numbers = #tpu.dot_dimension_numbers<[1], [0], [0], [1], [0, 0, 1, 1], [], []>, transpose_lhs_hint = false} : vector<16x16xf32>, vector<16x256xf32>, vector<16x256xf32> -> vector<16x256xf32>
      %add3A_1232 = arith.addf %add3A_1166, %dot_general3A_1231 : vector<16x256xf32>
      %swap3A_1233 = arith.constant 0 : index
      %swap3A_1234 = arith.constant 0 : index
      %swap3A_1235 = vector.load %arg18[%swap3A_1233, %swap3A_1234] : memref<32x256xf32, #tpu.memory_space<vmem>>, vector<16x256xf32>
      tpu.vector_store %arg18[%swap3A_1233, %swap3A_1234], %add3A_1232 {strides = array<i32>} : memref<32x256xf32, #tpu.memory_space<vmem>>, vector<16x256xf32>,
      %jit3A_1236 = arith.constant 16 : i32
      %eq3A_1237 = arith.constant 0 : i32
      %eq3A_1238 = arith.cmpi eq, %jit3A_1236, %eq3A_1237 : i32
      %jit3A_1239 = arith.constant 1 : i32
      %select_n3A_1240 = arith.select %eq3A_1238, %jit3A_1239, %jit3A_1236 : i32
      %rem3A_1241 = vector.broadcast %select_n3A_1240 : i32 to vector<16x256xi32>
      %rem3A_1242 = arith.remsi %iota3A_173, %rem3A_1241 : vector<16x256xi32>
      %ne3A_1243 = arith.constant 0 : i32
      %ne3A_1244 = vector.broadcast %ne3A_1243 : i32 to vector<16x256xi32>
      %ne3A_1245 = arith.cmpi ne, %rem3A_1242, %ne3A_1244 : vector<16x256xi32>
      %lt3A_1246 = arith.constant 0 : i32
      %lt3A_1247 = vector.broadcast %lt3A_1246 : i32 to vector<16x256xi32>
      %lt3A_1248 = arith.cmpi slt, %rem3A_1242, %lt3A_1247 : vector<16x256xi32>
      %lt3A_1249 = arith.constant 0 : i32
      %lt3A_1250 = arith.cmpi slt, %select_n3A_1240, %lt3A_1249 : i32
      %ne3A_1251 = vector.broadcast %lt3A_1250 : i1 to vector<16x256xi1>
      %ne3A_1252 = vector.broadcast %ne3A_1251 : vector<16x256xi1> to vector<16x256xi1>
      %ne3A_1253 = arith.xori %lt3A_1248, %ne3A_1252 : vector<16x256xi1>
      %and3A_1254 = arith.andi %ne3A_1253, %ne3A_1245 : vector<16x256xi1>
      %add3A_1255 = vector.broadcast %select_n3A_1240 : i32 to vector<16x256xi32>
      %add3A_1256 = arith.addi %rem3A_1242, %add3A_1255 : vector<16x256xi32>
      %select_n3A_1257 = arith.select %and3A_1254, %add3A_1256, %rem3A_1242 : vector<16x256xi1>, vector<16x256xi32>
      %eq3A_1258 = arith.cmpi eq, %select_n3A_1257, %iota3A_174 : vector<16x256xi32>
      %convert_element_type3A_1259 = arith.extui %eq3A_1258 : vector<16x256xi1> to vector<16x256xi32>
      %convert_element_type3A_1260 = arith.sitofp %convert_element_type3A_1259 : vector<16x256xi32> to vector<16x256xf32>
      %swap3A_1261 = arith.constant 16 : index
      %swap3A_1262 = arith.constant 0 : index
      %swap3A_1263 = vector.load %arg18[%swap3A_1261, %swap3A_1262] : memref<32x256xf32, #tpu.memory_space<vmem>>, vector<16x256xf32>
      tpu.vector_store %arg18[%swap3A_1261, %swap3A_1262], %convert_element_type3A_1260 {strides = array<i32>} : memref<32x256xf32, #tpu.memory_space<vmem>>, vector<16x256xf32>,
      %iota3A_1264 = tpu.iota {dimensions = array<i32: 0>} : vector<256x16xi32>
      %iota3A_1265 = tpu.iota {dimensions = array<i32: 1>} : vector<256x16xi32>
      %jit3A_1266 = arith.constant 16 : i32
      %eq3A_1267 = arith.constant 0 : i32
      %eq3A_1268 = arith.cmpi eq, %jit3A_1266, %eq3A_1267 : i32
      %jit3A_1269 = arith.constant 1 : i32
      %select_n3A_1270 = arith.select %eq3A_1268, %jit3A_1269, %jit3A_1266 : i32
      %rem3A_1271 = vector.broadcast %select_n3A_1270 : i32 to vector<256x16xi32>
      %rem3A_1272 = arith.remsi %iota3A_1264, %rem3A_1271 : vector<256x16xi32>
      %ne3A_1273 = arith.constant 0 : i32
      %ne3A_1274 = vector.broadcast %ne3A_1273 : i32 to vector<256x16xi32>
      %ne3A_1275 = arith.cmpi ne, %rem3A_1272, %ne3A_1274 : vector<256x16xi32>
      %lt3A_1276 = arith.constant 0 : i32
      %lt3A_1277 = vector.broadcast %lt3A_1276 : i32 to vector<256x16xi32>
      %lt3A_1278 = arith.cmpi slt, %rem3A_1272, %lt3A_1277 : vector<256x16xi32>
      %lt3A_1279 = arith.constant 0 : i32
      %lt3A_1280 = arith.cmpi slt, %select_n3A_1270, %lt3A_1279 : i32
      %ne3A_1281 = vector.broadcast %lt3A_1280 : i1 to vector<256x16xi1>
      %ne3A_1282 = vector.broadcast %ne3A_1281 : vector<256x16xi1> to vector<256x16xi1>
      %ne3A_1283 = arith.xori %lt3A_1278, %ne3A_1282 : vector<256x16xi1>
      %and3A_1284 = arith.andi %ne3A_1283, %ne3A_1275 : vector<256x16xi1>
      %add3A_1285 = vector.broadcast %select_n3A_1270 : i32 to vector<256x16xi32>
      %add3A_1286 = arith.addi %rem3A_1272, %add3A_1285 : vector<256x16xi32>
      %select_n3A_1287 = arith.select %and3A_1284, %add3A_1286, %rem3A_1272 : vector<256x16xi1>, vector<256x16xi32>
      %eq3A_1288 = arith.cmpi eq, %select_n3A_1287, %iota3A_1265 : vector<256x16xi32>
      %convert_element_type3A_1289 = arith.extui %eq3A_1288 : vector<256x16xi1> to vector<256x16xi32>
      %convert_element_type3A_1290 = arith.sitofp %convert_element_type3A_1289 : vector<256x16xi32> to vector<256x16xf32>
      %get3A_1291 = arith.constant 0 : index
      %get3A_1292 = arith.constant 0 : index
      %get3A_1293 = vector.load %arg11[%get3A_1291, %get3A_1292] : memref<16x1xf32, #tpu.memory_space<vmem>>, vector<16x1xf32>
      %dot_general3A_1294 = arith.constant dense<0.000000e+00> : vector<256x1xf32>
      %dot_general3A_1295 = tpu.matmul %convert_element_type3A_1290, %get3A_1293, %dot_general3A_1294 {dimension_numbers = #tpu.dot_dimension_numbers<[1], [0], [0], [1], [0, 0, 1, 1], [], []>, transpose_lhs_hint = false} : vector<256x16xf32>, vector<16x1xf32>, vector<256x1xf32> -> vector<256x1xf32>
      %jit3A_1296 = arith.constant 16 : i32
      %div3A_1297 = vector.broadcast %jit3A_1296 : i32 to vector<256x16xi32>
      %div3A_1298 = arith.divsi %iota3A_1264, %div3A_1297 : vector<256x16xi32>
      %sign3A_1299 = arith.constant 0 : i32
      %sign3A_1300 = vector.broadcast %sign3A_1299 : i32 to vector<256x16xi32>
      %sign3A_1301 = arith.cmpi sgt, %iota3A_1264, %sign3A_1300 : vector<256x16xi32>
      %sign3A_1302 = arith.extui %sign3A_1301 : vector<256x16xi1> to vector<256x16xi32>
      %sign3A_1303 = arith.constant 0 : i32
      %sign3A_1304 = vector.broadcast %sign3A_1303 : i32 to vector<256x16xi32>
      %sign3A_1305 = arith.cmpi slt, %iota3A_1264, %sign3A_1304 : vector<256x16xi32>
      %sign3A_1306 = arith.extui %sign3A_1305 : vector<256x16xi1> to vector<256x16xi32>
      %sign3A_1307 = arith.subi %sign3A_1302, %sign3A_1306 : vector<256x16xi32>
      %sign3A_1308 = arith.constant 0 : i32
      %sign3A_1309 = arith.cmpi sgt, %jit3A_1296, %sign3A_1308 : i32
      %sign3A_1310 = arith.extui %sign3A_1309 : i1 to i32
      %sign3A_1311 = arith.constant 0 : i32
      %sign3A_1312 = arith.cmpi slt, %jit3A_1296, %sign3A_1311 : i32
      %sign3A_1313 = arith.extui %sign3A_1312 : i1 to i32
      %sign3A_1314 = arith.subi %sign3A_1310, %sign3A_1313 : i32
      %ne3A_1315 = vector.broadcast %sign3A_1314 : i32 to vector<256x16xi32>
      %ne3A_1316 = arith.cmpi ne, %sign3A_1307, %ne3A_1315 : vector<256x16xi32>
      %rem3A_1317 = vector.broadcast %jit3A_1296 : i32 to vector<256x16xi32>
      %rem3A_1318 = arith.remsi %iota3A_1264, %rem3A_1317 : vector<256x16xi32>
      %ne3A_1319 = arith.constant 0 : i32
      %ne3A_1320 = vector.broadcast %ne3A_1319 : i32 to vector<256x16xi32>
      %ne3A_1321 = arith.cmpi ne, %rem3A_1318, %ne3A_1320 : vector<256x16xi32>
      %and3A_1322 = arith.andi %ne3A_1316, %ne3A_1321 : vector<256x16xi1>
      %sub3A_1323 = arith.constant 1 : i32
      %sub3A_1324 = vector.broadcast %sub3A_1323 : i32 to vector<256x16xi32>
      %sub3A_1325 = arith.subi %div3A_1298, %sub3A_1324 : vector<256x16xi32>
      %select_n3A_1326 = arith.select %and3A_1322, %sub3A_1325, %div3A_1298 : vector<256x16xi1>, vector<256x16xi32>
      %eq3A_1327 = arith.cmpi eq, %select_n3A_1326, %iota3A_1265 : vector<256x16xi32>
      %convert_element_type3A_1328 = arith.extui %eq3A_1327 : vector<256x16xi1> to vector<256x16xi32>
      %convert_element_type3A_1329 = arith.sitofp %convert_element_type3A_1328 : vector<256x16xi32> to vector<256x16xf32>
      %mul3A_1330 = vector.broadcast %dot_general3A_1295 : vector<256x1xf32> to vector<256x16xf32>
      %mul3A_1331 = arith.mulf %convert_element_type3A_1329, %mul3A_1330 : vector<256x16xf32>
      %swap3A_1332 = arith.constant 0 : index
      %swap3A_1333 = arith.constant 0 : index
      %swap3A_1334 = vector.load %arg20[%swap3A_1332, %swap3A_1333] : memref<256x16xf32, #tpu.memory_space<vmem>>, vector<256x16xf32>
      tpu.vector_store %arg20[%swap3A_1332, %swap3A_1333], %mul3A_1331 {strides = array<i32>} : memref<256x16xf32, #tpu.memory_space<vmem>>, vector<256x16xf32>,
    } else {
    }
    %get3A = arith.constant 0 : index
    %get3A_2 = arith.constant 0 : index
    %get3A_3 = vector.load %arg2[%get3A, %get3A_2] : memref<4096x32xf32, #tpu.memory_space<vmem>>, vector<4096x32xf32>
    %slice3A = vector.extract_strided_slice %get3A_3 {offsets = [0, 0], sizes = [4096, 16], strides = [1, 1]} : vector<4096x32xf32> to vector<4096x16xf32>
    %slice3A_4 = vector.extract_strided_slice %get3A_3 {offsets = [0, 16], sizes = [4096, 1], strides = [1, 1]} : vector<4096x32xf32> to vector<4096x1xf32>
    %get3A_5 = arith.constant 0 : index
    %get3A_6 = arith.constant 0 : index
    %get3A_7 = vector.load %arg1[%get3A_5, %get3A_6] : memref<4096x128xf32, #tpu.memory_space<vmem>>, vector<4096x128xf32>
    %slice3A_8 = vector.extract_strided_slice %get3A_7 {offsets = [0, 0], sizes = [4096, 64], strides = [1, 1]} : vector<4096x128xf32> to vector<4096x64xf32>
    %slice3A_9 = vector.extract_strided_slice %get3A_7 {offsets = [0, 64], sizes = [4096, 64], strides = [1, 1]} : vector<4096x128xf32> to vector<4096x64xf32>
    %slice3A_10 = vector.extract_strided_slice %get3A_7 {offsets = [0, 0], sizes = [4096, 64], strides = [1, 1]} : vector<4096x128xf32> to vector<4096x64xf32>
    %sub3A = arith.subf %slice3A_9, %slice3A_10 : vector<4096x64xf32>
    %mul3A = vector.broadcast %slice3A_4 : vector<4096x1xf32> to vector<4096x64xf32>
    %mul3A_11 = arith.mulf %mul3A, %sub3A : vector<4096x64xf32>
    %add3A = arith.addf %slice3A_8, %mul3A_11 : vector<4096x64xf32>
    %get3A_12 = arith.constant 0 : index
    %get3A_13 = arith.constant 0 : index
    %get3A_14 = vector.load %arg9[%get3A_12, %get3A_13] : memref<64x16xf32, #tpu.memory_space<vmem>>, vector<64x16xf32>
    %dot_general3A = arith.constant dense<0.000000e+00> : vector<4096x16xf32>
    %dot_general3A_15 = tpu.matmul %add3A, %get3A_14, %dot_general3A {dimension_numbers = #tpu.dot_dimension_numbers<[1], [0], [0], [1], [0, 0, 1, 1], [], []>, transpose_lhs_hint = false} : vector<4096x64xf32>, vector<64x16xf32>, vector<4096x16xf32> -> vector<4096x16xf32>
    %get3A_16 = arith.constant 0 : index
    %get3A_17 = arith.constant 0 : index
    %get3A_18 = vector.load %arg10[%get3A_16, %get3A_17] : memref<1x16xf32, #tpu.memory_space<vmem>>, vector<1x16xf32>
    %add3A_19 = vector.broadcast %get3A_18 : vector<1x16xf32> to vector<4096x16xf32>
    %add3A_20 = arith.addf %dot_general3A_15, %add3A_19 : vector<4096x16xf32>
    %iota3A = tpu.iota {dimensions = array<i32: 1>} : vector<16x256xi32>
    %iota3A_21 = tpu.iota {dimensions = array<i32: 0>} : vector<16x256xi32>
    %jit3A = arith.constant 16 : i32
    %eq3A_22 = arith.constant 0 : i32
    %eq3A_23 = arith.cmpi eq, %jit3A, %eq3A_22 : i32
    %jit3A_24 = arith.constant 1 : i32
    %select_n3A = arith.select %eq3A_23, %jit3A_24, %jit3A : i32
    %rem3A = vector.broadcast %select_n3A : i32 to vector<16x256xi32>
    %rem3A_25 = arith.remsi %iota3A, %rem3A : vector<16x256xi32>
    %ne3A = arith.constant 0 : i32
    %ne3A_26 = vector.broadcast %ne3A : i32 to vector<16x256xi32>
    %ne3A_27 = arith.cmpi ne, %rem3A_25, %ne3A_26 : vector<16x256xi32>
    %lt3A = arith.constant 0 : i32
    %lt3A_28 = vector.broadcast %lt3A : i32 to vector<16x256xi32>
    %lt3A_29 = arith.cmpi slt, %rem3A_25, %lt3A_28 : vector<16x256xi32>
    %lt3A_30 = arith.constant 0 : i32
    %lt3A_31 = arith.cmpi slt, %select_n3A, %lt3A_30 : i32
    %ne3A_32 = vector.broadcast %lt3A_31 : i1 to vector<16x256xi1>
    %ne3A_33 = vector.broadcast %ne3A_32 : vector<16x256xi1> to vector<16x256xi1>
    %ne3A_34 = arith.xori %lt3A_29, %ne3A_33 : vector<16x256xi1>
    %and3A = arith.andi %ne3A_34, %ne3A_27 : vector<16x256xi1>
    %add3A_35 = vector.broadcast %select_n3A : i32 to vector<16x256xi32>
    %add3A_36 = arith.addi %rem3A_25, %add3A_35 : vector<16x256xi32>
    %select_n3A_37 = arith.select %and3A, %add3A_36, %rem3A_25 : vector<16x256xi1>, vector<16x256xi32>
    %eq3A_38 = arith.cmpi eq, %select_n3A_37, %iota3A_21 : vector<16x256xi32>
    %convert_element_type3A_39 = arith.extui %eq3A_38 : vector<16x256xi1> to vector<16x256xi32>
    %convert_element_type3A_40 = arith.sitofp %convert_element_type3A_39 : vector<16x256xi32> to vector<16x256xf32>
    %jit3A_41 = arith.constant 16 : i32
    %div3A = vector.broadcast %jit3A_41 : i32 to vector<16x256xi32>
    %div3A_42 = arith.divsi %iota3A, %div3A : vector<16x256xi32>
    %sign3A = arith.constant 0 : i32
    %sign3A_43 = vector.broadcast %sign3A : i32 to vector<16x256xi32>
    %sign3A_44 = arith.cmpi sgt, %iota3A, %sign3A_43 : vector<16x256xi32>
    %sign3A_45 = arith.extui %sign3A_44 : vector<16x256xi1> to vector<16x256xi32>
    %sign3A_46 = arith.constant 0 : i32
    %sign3A_47 = vector.broadcast %sign3A_46 : i32 to vector<16x256xi32>
    %sign3A_48 = arith.cmpi slt, %iota3A, %sign3A_47 : vector<16x256xi32>
    %sign3A_49 = arith.extui %sign3A_48 : vector<16x256xi1> to vector<16x256xi32>
    %sign3A_50 = arith.subi %sign3A_45, %sign3A_49 : vector<16x256xi32>
    %sign3A_51 = arith.constant 0 : i32
    %sign3A_52 = arith.cmpi sgt, %jit3A_41, %sign3A_51 : i32
    %sign3A_53 = arith.extui %sign3A_52 : i1 to i32
    %sign3A_54 = arith.constant 0 : i32
    %sign3A_55 = arith.cmpi slt, %jit3A_41, %sign3A_54 : i32
    %sign3A_56 = arith.extui %sign3A_55 : i1 to i32
    %sign3A_57 = arith.subi %sign3A_53, %sign3A_56 : i32
    %ne3A_58 = vector.broadcast %sign3A_57 : i32 to vector<16x256xi32>
    %ne3A_59 = arith.cmpi ne, %sign3A_50, %ne3A_58 : vector<16x256xi32>
    %rem3A_60 = vector.broadcast %jit3A_41 : i32 to vector<16x256xi32>
    %rem3A_61 = arith.remsi %iota3A, %rem3A_60 : vector<16x256xi32>
    %ne3A_62 = arith.constant 0 : i32
    %ne3A_63 = vector.broadcast %ne3A_62 : i32 to vector<16x256xi32>
    %ne3A_64 = arith.cmpi ne, %rem3A_61, %ne3A_63 : vector<16x256xi32>
    %and3A_65 = arith.andi %ne3A_59, %ne3A_64 : vector<16x256xi1>
    %sub3A_66 = arith.constant 1 : i32
    %sub3A_67 = vector.broadcast %sub3A_66 : i32 to vector<16x256xi32>
    %sub3A_68 = arith.subi %div3A_42, %sub3A_67 : vector<16x256xi32>
    %select_n3A_69 = arith.select %and3A_65, %sub3A_68, %div3A_42 : vector<16x256xi1>, vector<16x256xi32>
    %eq3A_70 = arith.cmpi eq, %select_n3A_69, %iota3A_21 : vector<16x256xi32>
    %convert_element_type3A_71 = arith.extui %eq3A_70 : vector<16x256xi1> to vector<16x256xi32>
    %convert_element_type3A_72 = arith.sitofp %convert_element_type3A_71 : vector<16x256xi32> to vector<16x256xf32>
    %concatenate3A = tpu.concatenate %slice3A, %add3A_20 in 1 : vector<4096x16xf32>, vector<4096x16xf32> -> vector<4096x32xf32>
    %get3A_73 = arith.constant 0 : index
    %get3A_74 = arith.constant 0 : index
    %get3A_75 = vector.load %arg18[%get3A_73, %get3A_74] : memref<32x256xf32, #tpu.memory_space<vmem>>, vector<32x256xf32>
    %dot_general3A_76 = arith.constant dense<0.000000e+00> : vector<4096x256xf32>
    %dot_general3A_77 = tpu.matmul %concatenate3A, %get3A_75, %dot_general3A_76 {dimension_numbers = #tpu.dot_dimension_numbers<[1], [0], [0], [1], [0, 0, 1, 1], [], []>, transpose_lhs_hint = false} : vector<4096x32xf32>, vector<32x256xf32>, vector<4096x256xf32> -> vector<4096x256xf32>
    %max3A = arith.constant 0.000000e+00 : f32
    %max3A_78 = vector.broadcast %max3A : f32 to vector<4096x256xf32>
    %max3A_79 = arith.maximumf %dot_general3A_77, %max3A_78 : vector<4096x256xf32>
    %get3A_80 = arith.constant 0 : index
    %get3A_81 = arith.constant 0 : index
    %get3A_82 = vector.load %arg20[%get3A_80, %get3A_81] : memref<256x16xf32, #tpu.memory_space<vmem>>, vector<256x16xf32>
    %dot_general3A_83 = arith.constant dense<0.000000e+00> : vector<4096x16xf32>
    %dot_general3A_84 = tpu.matmul %max3A_79, %get3A_82, %dot_general3A_83 {dimension_numbers = #tpu.dot_dimension_numbers<[1], [0], [0], [1], [0, 0, 1, 1], [], []>, transpose_lhs_hint = false} : vector<4096x256xf32>, vector<256x16xf32>, vector<4096x16xf32> -> vector<4096x16xf32>
    %get3A_85 = arith.constant 0 : index
    %get3A_86 = arith.constant 0 : index
    %get3A_87 = vector.load %arg12[%get3A_85, %get3A_86] : memref<1x1xf32, #tpu.memory_space<vmem>>, vector<1x1xf32>
    %add3A_88 = vector.broadcast %get3A_87 : vector<1x1xf32> to vector<4096x16xf32>
    %add3A_89 = arith.addf %dot_general3A_84, %add3A_88 : vector<4096x16xf32>
    %jit3A_90 = arith.constant -5.000000e+01 : f32
    %jit3A_91 = arith.constant 5.000000e+01 : f32
    %max3A_92 = vector.broadcast %jit3A_90 : f32 to vector<4096x16xf32>
    %max3A_93 = arith.maximumf %max3A_92, %add3A_89 : vector<4096x16xf32>
    %min3A = vector.broadcast %jit3A_91 : f32 to vector<4096x16xf32>
    %min3A_94 = arith.minimumf %min3A, %max3A_93 : vector<4096x16xf32>
    %exp3A = math.exp %min3A_94 : vector<4096x16xf32>
    %get3A_95 = arith.constant 0 : index
    %get3A_96 = arith.constant 0 : index
    %get3A_97 = vector.load %arg6[%get3A_95, %get3A_96] : memref<16x16xf32, #tpu.memory_space<vmem>>, vector<16x16xf32>
    %dot_general3A_98 = arith.constant dense<0.000000e+00> : vector<4096x16xf32>
    %dot_general3A_99 = tpu.matmul %slice3A, %get3A_97, %dot_general3A_98 {dimension_numbers = #tpu.dot_dimension_numbers<[1], [0], [0], [1], [0, 0, 1, 1], [], []>, transpose_lhs_hint = false} : vector<4096x16xf32>, vector<16x16xf32>, vector<4096x16xf32> -> vector<4096x16xf32>
    %mul3A_100 = arith.mulf %exp3A, %dot_general3A_99 : vector<4096x16xf32>
    %reduce_sum3A = arith.constant dense<0.000000e+00> : vector<4096xf32>
    %reduce_sum3A_101 = vector.multi_reduction <add>, %mul3A_100, %reduce_sum3A [1] : vector<4096x16xf32> to vector<4096xf32>
    %broadcast_in_dim3A = vector.shape_cast %reduce_sum3A_101 : vector<4096xf32> to vector<4096x1xf32>
    %div3A_102 = vector.broadcast %broadcast_in_dim3A : vector<4096x1xf32> to vector<4096x16xf32>
    %div3A_103 = arith.divf %mul3A_100, %div3A_102 : vector<4096x16xf32>
    %dot_general3A_104 = arith.constant dense<0.000000e+00> : vector<4096x256xf32>
    %dot_general3A_105 = tpu.matmul %div3A_103, %convert_element_type3A_72, %dot_general3A_104 {dimension_numbers = #tpu.dot_dimension_numbers<[1], [0], [0], [1], [0, 0, 1, 1], [], []>, transpose_lhs_hint = false} : vector<4096x16xf32>, vector<16x256xf32>, vector<4096x256xf32> -> vector<4096x256xf32>
    %dot_general3A_106 = arith.constant dense<0.000000e+00> : vector<4096x256xf32>
    %dot_general3A_107 = tpu.matmul %slice3A, %convert_element_type3A_40, %dot_general3A_106 {dimension_numbers = #tpu.dot_dimension_numbers<[1], [0], [0], [1], [0, 0, 1, 1], [], []>, transpose_lhs_hint = false} : vector<4096x16xf32>, vector<16x256xf32>, vector<4096x256xf32> -> vector<4096x256xf32>
    %mul3A_108 = arith.mulf %dot_general3A_105, %dot_general3A_107 : vector<4096x256xf32>
    %get3A_109 = arith.constant 0 : index
    %get3A_110 = arith.constant 0 : index
    %get3A_111 = vector.load %arg19[%get3A_109, %get3A_110] : memref<256x64xf32, #tpu.memory_space<vmem>>, vector<256x64xf32>
    %dot_general3A_112 = arith.constant dense<0.000000e+00> : vector<4096x64xf32>
    %dot_general3A_113 = tpu.matmul %mul3A_108, %get3A_111, %dot_general3A_112 {dimension_numbers = #tpu.dot_dimension_numbers<[1], [0], [0], [1], [0, 0, 1, 1], [], []>, transpose_lhs_hint = false} : vector<4096x256xf32>, vector<256x64xf32>, vector<4096x64xf32> -> vector<4096x64xf32>
    %mul3A_114 = arith.constant 5.000000e-01 : f32
    %mul3A_115 = vector.broadcast %mul3A_114 : f32 to vector<4096x64xf32>
    %mul3A_116 = arith.mulf %mul3A_115, %dot_general3A_113 : vector<4096x64xf32>
    %get3A_117 = arith.constant 0 : index
    %get3A_118 = arith.constant 0 : index
    %get3A_119 = vector.load %arg7[%get3A_117, %get3A_118] : memref<16x64xf32, #tpu.memory_space<vmem>>, vector<16x64xf32>
    %dot_general3A_120 = arith.constant dense<0.000000e+00> : vector<4096x64xf32>
    %dot_general3A_121 = tpu.matmul %slice3A, %get3A_119, %dot_general3A_120 {dimension_numbers = #tpu.dot_dimension_numbers<[1], [0], [0], [1], [0, 0, 1, 1], [], []>, transpose_lhs_hint = false} : vector<4096x16xf32>, vector<16x64xf32>, vector<4096x64xf32> -> vector<4096x64xf32>
    %add3A_122 = arith.addf %mul3A_116, %dot_general3A_121 : vector<4096x64xf32>
    %mul3A_123 = arith.mulf %add3A_122, %add3A : vector<4096x64xf32>
    %concatenate3A_124 = tpu.concatenate %mul3A_123, %add3A_122, %add3A in 1 : vector<4096x64xf32>, vector<4096x64xf32>, vector<4096x64xf32> -> vector<4096x192xf32>
    %get3A_125 = arith.constant 0 : index
    %get3A_126 = arith.constant 0 : index
    %get3A_127 = vector.load %arg13[%get3A_125, %get3A_126] : memref<192x8xf32, #tpu.memory_space<vmem>>, vector<192x8xf32>
    %dot_general3A_128 = arith.constant dense<0.000000e+00> : vector<4096x8xf32>
    %dot_general3A_129 = tpu.matmul %concatenate3A_124, %get3A_127, %dot_general3A_128 {dimension_numbers = #tpu.dot_dimension_numbers<[1], [0], [0], [1], [0, 0, 1, 1], [], []>, transpose_lhs_hint = false} : vector<4096x192xf32>, vector<192x8xf32>, vector<4096x8xf32> -> vector<4096x8xf32>
    %get3A_130 = arith.constant 0 : index
    %get3A_131 = arith.constant 0 : index
    %get3A_132 = vector.load %arg14[%get3A_130, %get3A_131] : memref<1x8xf32, #tpu.memory_space<vmem>>, vector<1x8xf32>
    %add3A_133 = vector.broadcast %get3A_132 : vector<1x8xf32> to vector<4096x8xf32>
    %add3A_134 = arith.addf %dot_general3A_129, %add3A_133 : vector<4096x8xf32>
    %max3A_135 = arith.constant 0.000000e+00 : f32
    %max3A_136 = vector.broadcast %max3A_135 : f32 to vector<4096x8xf32>
    %max3A_137 = arith.maximumf %add3A_134, %max3A_136 : vector<4096x8xf32>
    %get3A_138 = arith.constant 0 : index
    %get3A_139 = arith.constant 0 : index
    %get3A_140 = vector.load %arg15[%get3A_138, %get3A_139] : memref<1x8xf32, #tpu.memory_space<vmem>>, vector<1x8xf32>
    %dot_general3A_141 = arith.constant dense<0.000000e+00> : vector<1x4096xf32>
    %dot_general3A_142 = tpu.matmul %get3A_140, %max3A_137, %dot_general3A_141 {dimension_numbers = #tpu.dot_dimension_numbers<[1], [1], [0], [0], [0, 0, 1, 0], [], []>, transpose_lhs_hint = false} : vector<1x8xf32>, vector<4096x8xf32>, vector<1x4096xf32> -> vector<1x4096xf32>
    %get3A_143 = arith.constant 0 : index
    %get3A_144 = arith.constant 0 : index
    %get3A_145 = vector.load %arg16[%get3A_143, %get3A_144] : memref<1x1xf32, #tpu.memory_space<vmem>>, vector<1x1xf32>
    %add3A_146 = vector.broadcast %get3A_145 : vector<1x1xf32> to vector<1x4096xf32>
    %add3A_147 = arith.addf %dot_general3A_142, %add3A_146 : vector<1x4096xf32>
    %swap3A = arith.constant 0 : index
    %swap3A_148 = arith.constant 0 : index
    %swap3A_149 = vector.load %arg17[%swap3A, %swap3A_148] : memref<1x4096xf32, #tpu.memory_space<vmem>>, vector<1x4096xf32>
    tpu.vector_store %arg17[%swap3A, %swap3A_148], %add3A_147 {strides = array<i32>} : memref<1x4096xf32, #tpu.memory_space<vmem>>, vector<1x4096xf32>,
    return
  }
  func.func @transform_0(%arg0: i32) -> (i32, i32) {
    %c0_i32 = arith.constant 0 : i32
    %c0_i32_0 = arith.constant 0 : i32
    return %arg0, %c0_i32 : i32, i32
  }
  func.func @transform_1(%arg0: i32) -> (i32, i32) {
    %c0_i32 = arith.constant 0 : i32
    %c0_i32_0 = arith.constant 0 : i32
    return %arg0, %c0_i32 : i32, i32
  }
  func.func @transform_2(%arg0: i32) -> i32 {
    %c0_i32 = arith.constant 0 : i32
    %c0_i32_0 = arith.constant 0 : i32
    return %c0_i32 : i32
  }
  func.func @transform_4(%arg0: i32) -> (i32, i32) {
    %c0_i32 = arith.constant 0 : i32
    %c0_i32_0 = arith.constant 0 : i32
    %c0_i32_1 = arith.constant 0 : i32
    return %c0_i32, %c0_i32_0 : i32, i32
  }
  func.func @transform_5(%arg0: i32) -> (i32, i32) {
    %c0_i32 = arith.constant 0 : i32
    %c0_i32_0 = arith.constant 0 : i32
    %c0_i32_1 = arith.constant 0 : i32
    return %c0_i32, %c0_i32_0 : i32, i32
  }
  func.func @transform_6(%arg0: i32) -> (i32, i32) {
    %c0_i32 = arith.constant 0 : i32
    %c0_i32_0 = arith.constant 0 : i32
    %c0_i32_1 = arith.constant 0 : i32
    return %c0_i32, %c0_i32_0 : i32, i32
  }
  func.func @transform_7(%arg0: i32) -> (i32, i32) {
    %c0_i32 = arith.constant 0 : i32
    %c0_i32_0 = arith.constant 0 : i32
    %c0_i32_1 = arith.constant 0 : i32
    return %c0_i32, %c0_i32_0 : i32, i32
  }
  func.func @transform_8(%arg0: i32) -> (i32, i32) {
    %c0_i32 = arith.constant 0 : i32
    %c0_i32_0 = arith.constant 0 : i32
    %c0_i32_1 = arith.constant 0 : i32
    return %c0_i32, %c0_i32_0 : i32, i32
  }
  func.func @transform_9(%arg0: i32) -> (i32, i32) {
    %c0_i32 = arith.constant 0 : i32
    %c0_i32_0 = arith.constant 0 : i32
    %c0_i32_1 = arith.constant 0 : i32
    return %c0_i32, %c0_i32_0 : i32, i32
  }
  func.func @transform_10(%arg0: i32) -> (i32, i32) {
    %c0_i32 = arith.constant 0 : i32
    %c0_i32_0 = arith.constant 0 : i32
    %c0_i32_1 = arith.constant 0 : i32
    return %c0_i32, %c0_i32_0 : i32, i32
  }
  func.func @transform_11(%arg0: i32) -> (i32, i32) {
    %c0_i32 = arith.constant 0 : i32
    %c0_i32_0 = arith.constant 0 : i32
    %c0_i32_1 = arith.constant 0 : i32
    return %c0_i32, %c0_i32_0 : i32, i32
  }
  func.func @transform_12(%arg0: i32) -> (i32, i32) {
    %c0_i32 = arith.constant 0 : i32
    %c0_i32_0 = arith.constant 0 : i32
    %c0_i32_1 = arith.constant 0 : i32
    return %c0_i32, %c0_i32_0 : i32, i32
  }
  func.func @transform_13(%arg0: i32) -> (i32, i32) {
    %c0_i32 = arith.constant 0 : i32
    %c0_i32_0 = arith.constant 0 : i32
    %c0_i32_1 = arith.constant 0 : i32
    return %c0_i32, %c0_i32_0 : i32, i32
  }
  func.func @transform_14(%arg0: i32) -> (i32, i32) {
    %c0_i32 = arith.constant 0 : i32
    %c0_i32_0 = arith.constant 0 : i32
    %c0_i32_1 = arith.constant 0 : i32
    return %c0_i32, %c0_i32_0 : i32, i32
  }
  func.func @transform_15(%arg0: i32) -> (i32, i32) {
    %c0_i32 = arith.constant 0 : i32
    %c0_i32_0 = arith.constant 0 : i32
    %c0_i32_1 = arith.constant 0 : i32
    return %c0_i32, %c0_i32_0 : i32, i32
  }
  func.func @transform_16(%arg0: i32) -> (i32, i32) {
    %c0_i32 = arith.constant 0 : i32
    %c0_i32_0 = arith.constant 0 : i32
    return %c0_i32, %arg0 : i32, i32
  }
}

</mosaic_0001>

<sc_bundles>
// kernel: kernel.4.cloned.1.call-start
scs
__scs_entry_jumppad:
0x0: {  	(pc) =	sbr.rel $0x88, $3  }
0x1: {  	(tag) =	ssettag $0x0;
	lr =	simm.s32 $0x1  }
0x2: {  	[smem:$0x3F92] =	sst lr;
	_ =	strace $0xD0000000  }
0x3: {  	_ = 	snop  }
0x4: {  	_ = 	snop  }
0x5: {  	_ = 	snop  }
0x6: {  	_ = 	snop  }
0x7: {  	_ = 	snop  }
__scs_overlays_trampoline_lowered:
0x8: {  	[smem:$0x3FA1] =	sst s0  }
0x9: {  	[smem:$0x3FA2] =	sst s1  }
0xa: {  	[smem:$0x3FA3] =	sst s2  }
0xb: {  	[smem:$0x3FA4] =	sst s3  }
0xc: {  	[smem:$0x3FA5] =	sst s4  }
0xd: {  	[smem:$0x3FA6] =	sst s5  }
0xe: {  	[smem:$0x3FA7] =	sst s6  }
0xf: {  	[smem:$0x3FA8] =	sst s7  }
0x10: {  	[smem:$0x3FA9] =	sst s8  }
0x11: {  	[smem:$0x3FAA] =	sst s9;
	s0 =	simm.s32 @!p0 $0x0  }
0x12: {  	s1 =	sld [smem:$0x3F90];
	s0 =	simm.s32 @p0 $0x1  }
0x13: {  	[smem:$0x3FAB] =	sst s0;
	s0 =	simm.s32 @!p1 $0x0  }
0x14: {  	s2 =	sld [smem:$0x3F8F];
	s0 =	simm.s32 @p1 $0x1  }
0x15: {  	[smem:$0x3FAC] =	sst s0;
	s0 =	simm.s32 @!p2 $0x0  }
0x16: {  	s3 =	sld [smem:$0x3FDB];
	s0 =	simm.s32 @p2 $0x1  }
0x17: {  	s4 =	simm.s32 $0x1BF5;
	[smem:$0x3FAE] =	sst s0  }
0x18: {  	s0 =	sld [smem:$0x3F91];
	_ =	swait.ge [sflag:s4], $0x0  }
0x19: {  	s7 =	sld [smem:$0x3F92]  }
0x1a: {  	s8 =	sadd.s32 $0xFFFFE003, lr  }
0x1b: {  	s9 =	sadd.s32 $0xFFFFFEF7, lr;
	s5 =	simm.s32 $0xFFFFFFFF;
	p2 =	slt.u32 s8, $0xFFFFF086  }
0x1c: {  	p1 =	slt.u32 s9, $0xF7A;
	s5 =	simm.s32 @!p2 $0x0  }
0x1d: {  	s5 =	simm.s32 @p1 $0x1;
	p0 =	seq.s32 s7, s2  }
0x1e: {  	s7 =	smul.u32 @!p0 $0xF7A, s2;
	p2 =	seq.s32 @!p0 s5, $0x0  }
0x1f: {  	s9 =	smul.u32 $0xF7A, s1;
	s8 =	simm.s32 @!p0 $0x1BF5;
	p2 =	por !p2, p0  }
0x20: {  	[sflag:s8] =	ssyncset.s32 @!p0 $0xFFFFF086;
	s6 =	sadd.s32 @!p0 s3, s7;
	s7 =	simm.s32 @!p0 $0x108  }
0x21: {  	s3 =	sadd.s32 s3, s9;
	s6 =	sadd.s32 @!p0 $0x88, s6;
	s7 =	simm.s32 @p2 $0x1082  }
0x22: {  	[simem:s7], [sflag:s8] =	dma.local @!p0 [hbm:s6], $0xF7A  }
0x23: {  	s9 =	sor.u32 $0xD0000000, s2;
	s6 =	simm.s32 $0x108;
	_ =	swait.ge @!p0 [sflag:s8], $0x0  }
0x24: {  	s3 =	sadd.s32 $0x88, s3;
	s6 =	simm.s32 @!p1 $0x1082;
	[sflag:s4] =	ssyncset.s32 $0xFFFFF086  }
0x25: {  	[simem:s6], [sflag:s4] =	dma.local [hbm:s3], $0xF7A  }
0x26: {  	[smem:$0x3F92] =	sst s1;
	(tag) =	ssettag s2;
	_ =	strace s9  }
0x27: {  	s1 =	sld [smem:$0x3FA2]  }
0x28: {  	s2 =	sld [smem:$0x3FA3]  }
0x29: {  	s4 =	sld [smem:$0x3FA5]  }
0x2a: {  	p0 =	seq.s32 s5, $0x0;
	s5 =	sld [smem:$0x3FA6]  }
0x2b: {  	s6 =	sld [smem:$0x3FA7]  }
0x2c: {  	s7 =	sld [smem:$0x3FA8]  }
0x2d: {  	s3 =	simm.s32 $0x108;
	s8 =	sld [smem:$0x3FA9]  }
0x2e: {  	s3 =	simm.s32 @!p0 $0x1082;
	s9 =	sld [smem:$0x3FAA]  }
0x2f: {  	lr =	sadd.s32 s0, s3;
	s0 =	sld [smem:$0x3FA1]  }
0x30: {  	s3 =	sld [smem:$0x3FA4]  }
0x31: {  	[smem:$0x3FAD] =	sst s10  }
0x32: {  	s10 =	sld [smem:$0x3FAB];
	_ =	sdelay $0x3  }
0x33: {  	p0 =	seq.s32 s10, $0x1;
	s10 =	sld [smem:$0x3FAD];
	_ =	sdelay $0x3  }
0x34: {  	[smem:$0x3FAD] =	sst s10  }
0x35: {  	s10 =	sld [smem:$0x3FAC];
	_ =	sdelay $0x3  }
0x36: {  	p1 =	seq.s32 s10, $0x1;
	s10 =	sld [smem:$0x3FAD];
	_ =	sdelay $0x3  }
0x37: {  	[smem:$0x3FAD] =	sst s10  }
0x38: {  	s10 =	sld [smem:$0x3FAE]  }
0x39: {  	_ = 	snop;
	(pc) =	sbr.ind lr, $3  }
0x3a: {  	_ = 	snop  }
0x3b: {  	_ = 	snop  }
0x3c: {  	p2 =	seq.s32 s10, $0x1;
	s10 =	sld [smem:$0x3FAD]  }
0x3d: {  	_ =	shalt  }
0x3e: {  	_ =	shalt  }
0x3f: {  	_ =	shalt  }
0x40: {  	_ =	shalt  }
0x41: {  	_ =	shalt  }
0x42: {  	_ =	shalt  }
0x43: {  	_ =	shalt  }
0x44: {  	_ =	shalt  }
0x45: {  	_ =	shalt  }
0x46: {  	_ =	shalt  }
0x47: {  	_ =	shalt  }
0x48: {  	_ =	shalt  }
0x49: {  	_ =	shalt  }
0x4a: {  	_ =	shalt  }
0x4b: {  	_ =	shalt  }
0x4c: {  	_ =	shalt  }
0x4d: {  	_ =	shalt  }
0x4e: {  	_ =	shalt  }
0x4f: {  	_ =	shalt  }
0x50: {  	_ =	shalt  }
0x51: {  	_ =	shalt  }
0x52: {  	_ =	shalt  }
0x53: {  	_ =	shalt  }
0x54: {  	_ =	shalt  }
0x55: {  	_ =	shalt  }
0x56: {  	_ =	shalt  }
0x57: {  	_ =	shalt  }
0x58: {  	_ =	shalt  }
0x59: {  	_ =	shalt  }
0x5a: {  	_ =	shalt  }
0x5b: {  	_ =	shalt  }
0x5c: {  	_ =	shalt  }
0x5d: {  	_ =	shalt  }
0x5e: {  	_ =	shalt  }
0x5f: {  	_ =	shalt  }
0x60: {  	_ =	shalt  }
0x61: {  	_ =	shalt  }
0x62: {  	_ =	shalt  }
0x63: {  	_ =	shalt  }
0x64: {  	_ =	shalt  }
0x65: {  	_ =	shalt  }
0x66: {  	_ =	shalt  }
0x67: {  	_ =	shalt  }
0x68: {  	_ =	shalt  }
0x69: {  	_ =	shalt  }
0x6a: {  	_ =	shalt  }
0x6b: {  	_ =	shalt  }
0x6c: {  	_ =	shalt  }
0x6d: {  	_ =	shalt  }
0x6e: {  	_ =	shalt  }
0x6f: {  	_ =	shalt  }
0x70: {  	_ =	shalt  }
0x71: {  	_ =	shalt  }
0x72: {  	_ =	shalt  }
0x73: {  	_ =	shalt  }
0x74: {  	_ =	shalt  }
0x75: {  	_ =	shalt  }
0x76: {  	_ =	shalt  }
0x77: {  	_ =	shalt  }
0x78: {  	_ =	shalt  }
0x79: {  	_ =	shalt  }
0x7a: {  	_ =	shalt  }
0x7b: {  	_ =	shalt  }
0x7c: {  	_ =	shalt  }
0x7d: {  	_ =	shalt  }
0x7e: {  	_ =	shalt  }
0x7f: {  	_ =	shalt  }
0x80: {  	_ =	shalt  }
0x81: {  	_ =	shalt  }
0x82: {  	_ =	shalt  }
0x83: {  	_ =	shalt  }
0x84: {  	_ =	shalt  }
0x85: {  	_ =	shalt  }
0x86: {  	_ =	shalt  }
0x87: {  	_ =	shalt  }
.Lfunc_end0:
.L_simem_size_0:
called_computation_lowered:
.L_overlay_start_0:
0x88: {  	s2 =	sld [smem:$0x3FD9]  }
0x89: {  	s3 =	sld [smem:$0x3FFE];
	_ =	sdelay $0x1  }
0x8a: {  	s1 =	srdreg.scid  }
0x8b: {  	s0 =	sand.u32 $0x1, s1  }
0x8c: {  	s17 =	sshll.u32 s0, $0xA;
	s2 =	sadd.s32 s3, s2  }
0x8d: {  	s2 =	sadd.s32 s2, s17  }
0x8e: {  	[smem:$0x3FB9] =	sst s2  }
0x8f: {  	_ = 	snop  }
0x90: {  	s2 =	sld [smem:$0x3FD0];
	(tm) =	ssettm $0x1  }
0x91: {  	s18 =	sld [smem:$0x3FFB];
	_ =	sdelay $0x3  }
0x92: {  	_ =	strace s18  }
0x93: {  	s3 =	sld [smem:$0x3FFC];
	_ =	sdelay $0x3  }
0x94: {  	_ =	strace s3  }
0x95: {  	s3 =	sld [smem:$0x3FFD];
	_ =	sdelay $0x3  }
0x96: {  	_ =	strace s3  }
0x97: {  	_ =	strace $0x8FFFFFFF  }
0x98: {  	s19 =	sld [smem:$0x3FDB];
	_ =	sdelay $0x1  }
0x99: {  	s4 =	simm.s32 $_scs_section_size  }
0x9a: {  	s5 =	simm.s32 $_size__tile_overlayer_lowered;
	s6 =	simm.s32 $_tile_overlayer_lowered  }
0x9b: {  	s22 =	simm.s32 $0x1BFF;
	s21 =	sshll.u32 s6, $0x1;
	s3 =	sadd.s32 s4, s19  }
0x9c: {  	s7 =	simm.s32 $0x0;
	s20 =	sshll.u32 s5, $0x1;
	s5 =	sadd.s32 s21, s3  }
0x9d: {  	[timem:s7], [sflag:s22] =	dma.local [hbm:s5], s20  }
0x9e: {  	_ =	swait.ge [sflag:s22], s20  }
0x9f: {  	s4 =	ssub.s32 $0x0, s20;
	[sflag:s22] =	ssyncset.done $0x0  }
0xa0: {  	[sflag:s22] =	ssyncadd.s32 s4;
	_ =	sdelay $0x1  }
0xa1: {  	s23 =	simm.s32 $0x1B8B  }
0xa2: {  	_ =	swait.ge [sflag:s23], $0x1  }
0xa3: {  	[sflag:s23] =	ssyncset.done $0x0  }
0xa4: {  	s25 =	simm.s32 $0x1B8E;
	s24 =	sld [smem:$0x3FFE];
	[sflag:s23] =	ssyncadd.s32 $0xFFFFFFFF  }
0xa5: {  	s26 =	simm.s32 $execute0_lowered;
	[smem:$0x3FD2] =	sst s25  }
0xa6: {  	s5 =	sshll.u32 s26, $0x1;
	_ =	strace $0x80000046;
	[dreg:$0x1] =	wrdreg $0xFFFFFFFF  }
0xa7: {  	s28 =	simm.s32 $_size_execute0_lowered;
	s3 =	sadd.s32 s3, s5;
	[dreg:$0x0] =	wrdreg $0x0  }
0xa8: {  	s5 =	sshll.u32 s28, $0x1;
	[dreg:$0x2] =	wrdreg s3  }
0xa9: {  	[dreg:$0x3] =	wrdreg s5  }
0xaa: {  	[dreg:$0x4] =	wrdreg $0xC0  }
0xab: {  	_ =	task [dreg:s7], $0x5FFFF  }
0xac: {  	[dreg:$0x1] =	wrdreg $0xFFFFFFFF  }
0xad: {  	[dreg:$0x0] =	wrdreg $0x60  }
0xae: {  	[dreg:$0x2] =	wrdreg s24  }
0xaf: {  	[dreg:$0x3] =	wrdreg s2  }
0xb0: {  	[dreg:$0x4] =	wrdreg $0x9  }
0xb1: {  	_ =	task.clear_ibuf [dreg:s7], $0x5FFFF;
	_ =	strace $0x90000046  }
0xb2: {  	s29 =	simm.s32 $0x9;
	_ =	strace $0x80000048  }
0xb3: {  	_ =	swait.ge [sflag:s29], $0x1  }
0xb4: {  	[sflag:s29] =	ssyncadd.s32 $0xFFFFFFFF  }
0xb5: {  	_ =	strace $0x90000048  }
0xb6: {  	_ =	sfence  }
0xb7: {  	s30 =	sld [smem:$0x0];
	_ =	sdelay $0x2  }
0xb8: {  	s31 =	sshll.u32 s1, $0xD;
	s1 =	sshrl.u32 s1, $0x2  }
0xb9: {  	s3 =	sand.u32 $0x4000, s31;
	s1 =	sadd.s32 s1, s30  }
0xba: {  	s0 =	sor.u32 s3, s0;
	s1 =	sshll.u32 s1, $0x11  }
0xbb: {  	s0 =	sor.u32 s1, s0  }
0xbc: {  	s0 =	sadd.s32 $0x8F2B, s0  }
0xbd: {  	[sflag:s0] =	ssyncadd.remote.s32 $0x1  }
0xbe: {  	_ =	sfence.sel $0xFFFF  }
0xbf: {  	[dreg:$0x0] =	wrdreg $0xFFFFFFFF;
	(pc) =	sbr.abs _section_cstart, $3  }
0xc0: {  	[dreg:$0x1] =	wrdreg $0xFFFFFFFF  }
0xc1: {  	_ =	task.clear_ibuf [dreg:s7], $0x2FFFF;
	_ =	strace $0x9FFFFFFF  }
0xc2: {  	(tm) =	ssettm $0x7FFFFFFF  }
0xc3: {  	_ =	shalt  }
tec
execute0_lowered:
.L_overlay_start_1:
0x0: {  	(tag) =	ssettag $0x1  }
0x1: {  	s14 =	rddreg [dreg:$0x0]  }
0x2: {  	s3 =	rddreg [dreg:$0x1];
	s1 =	srdreg.scid  }
0x3: {  	s0 =	rddreg [dreg:$0x2];
	s15 =	sand.u32 $0x1, s1  }
0x4: {  	s2 =	simm.s32 $0x0;
	s1 =	stileid.u32;
	s4 =	sshll.u32 s15, $0x6  }
0x5: {  	[smem:$0x7FF] =	sst s2;
	s5 =	sshll.u32 s1, $0x7;
	s3 =	sadd.s32 s3, s4  }
0x6: {  	_ =	strace $0x80000047;
	s4 =	sadd.s32 s5, s3;
	s3 =	simm.s32 $0x2  }
0x7: {  	[tilespmem:s2], [sflag:$0x2] =	stream.linear.gather [hbm4b:s4+s2], $0x200, $0x38;
	[tilespmem:$0x10200] =	vst v63  }
0x8: {  	_ =	swait.ge [sflag:s3], $0x200  }
0x9: {  	s6 =	simm.s32 $0x80;
	[sflag:s3] =	ssyncset.done $0x0  }
0xa: {  	s7 =	simm.s32 $0x200;
	s5 =	sadd.s32 $0x18A400, s14;
	[sflag:s3] =	ssyncadd.s32 $0xFFFFFE00  }
0xb: {  	[tilespmem:s7], [sflag:$0x1] =	stream.indirect.gather [hbm4b:s5+s6], $0x80, s2, s6, $0xb8;
	[tilespmem:$0x10200] =	vst v63  }
0xc: {  	s8 =	simm.s32 $0x4200  }
0xd: {  	[tilespmem:s8], [sflag:$0x1] =	stream.indirect.gather [hbm4b:s5+s6], $0x80, s6, s6, $0xb8;
	[tilespmem:$0x10200] =	vst v63  }
0xe: {  	s9 =	simm.s32 $0x100;
	s10 =	simm.s32 $0x8200  }
0xf: {  	[tilespmem:s10], [sflag:$0x1] =	stream.indirect.gather [hbm4b:s5+s6], $0x80, s9, s6, $0xb8;
	[tilespmem:$0x10200] =	vst v63  }
0x10: {  	s11 =	simm.s32 $0x180;
	s12 =	simm.s32 $0xC200;
	s13 =	simm.s32 $0x1  }
0x11: {  	[tilespmem:s12], [sflag:$0x1] =	stream.indirect.gather [hbm4b:s5+s6], $0x80, s11, s6, $0xb8;
	[tilespmem:$0x10200] =	vst v63  }
0x12: {  	_ =	swait.ge [sflag:s13], $0x4000  }
0x13: {  	[sflag:s13] =	ssyncset.done $0x0  }
0x14: {  	[sflag:s13] =	ssyncadd.s32 $0xFFFFC000  }
0x15: {  	_ =	swait.ge [sflag:s13], $0x4000  }
0x16: {  	[sflag:s13] =	ssyncset.done $0x0  }
0x17: {  	s16 =	sshll.u32 s15, $0xD;
	s15 =	ssub.s32 $0x2, s15;
	[sflag:s13] =	ssyncadd.s32 $0xFFFFC000  }
0x18: {  	s31 =	sshrl.u32 s15, $0x1;
	_ =	swait.ge [sflag:s13], $0x4000  }
0x19: {  	s15 =	ssub.s32 s15, s31;
	[sflag:s13] =	ssyncset.done $0x0  }
0x1a: {  	s17 =	sshll.u32 s1, $0xE;
	s15 =	smax.u32 s15, $0x1;
	[sflag:s13] =	ssyncadd.s32 $0xFFFFC000  }
0x1b: {  	s14 =	sadd.s32 s16, s14;
	p0 =	sne.s32 s15, $0x1;
	_ =	swait.ge [sflag:s13], $0x4000  }
.Ltmp0:
0x1c: {  	s14 =	sadd.s32 s17, s14;
	[sflag:s13] =	ssyncset.done $0x0;
	(pc) =	sbr.rel @!p0 .LBB2_2-.Ltmp0, $4  }
0x1d: {  	s14 =	sadd.s32 $0x24DA00, s14;
	[sflag:s13] =	ssyncadd.s32 $0xFFFFC000  }
0x1e: {  	[hbm4b:s14+s2] =	stream.linear.scatter [tilespmem:s7], [sflag:$0x2], $0x10000, $0x38;
	[tilespmem:$0x10200] =	vst v63  }
0x1f: {  	_ =	swait.ge [sflag:s3], $0x10000  }
0x20: {  	s15 =	sadd.s32 $0xFFFFFFFF, s15;
	[sflag:s3] =	ssyncset.done $0x0  }
.LBB2_1:
0x21: {  	p0 =	sne.s32 s15, $0x1;
	s15 =	sadd.s32 $0xFFFFFFFF, s15;
	[sflag:s3] =	ssyncadd.s32 $0xFFFF0000  }
0x22: {  	[tilespmem:s2], [sflag:$0x2] =	stream.linear.gather [hbm4b:s4+s2], $0x200, $0x38;
	[tilespmem:$0x10200] =	vst v63  }
0x23: {  	_ =	swait.ge [sflag:s3], $0x200  }
0x24: {  	[sflag:s3] =	ssyncset.done $0x0  }
0x25: {  	[sflag:s3] =	ssyncadd.s32 $0xFFFFFE00  }
0x26: {  	[tilespmem:s7], [sflag:$0x1] =	stream.indirect.gather [hbm4b:s5+s6], $0x80, s2, s6, $0xb8;
	[tilespmem:$0x10200] =	vst v63  }
0x27: {  	_ = 	snop  }
0x28: {  	[tilespmem:s8], [sflag:$0x1] =	stream.indirect.gather [hbm4b:s5+s6], $0x80, s6, s6, $0xb8;
	[tilespmem:$0x10200] =	vst v63  }
0x29: {  	_ = 	snop  }
0x2a: {  	[tilespmem:s10], [sflag:$0x1] =	stream.indirect.gather [hbm4b:s5+s6], $0x80, s9, s6, $0xb8;
	[tilespmem:$0x10200] =	vst v63  }
0x2b: {  	_ = 	snop  }
0x2c: {  	[tilespmem:s12], [sflag:$0x1] =	stream.indirect.gather [hbm4b:s5+s6], $0x80, s11, s6, $0xb8;
	[tilespmem:$0x10200] =	vst v63  }
0x2d: {  	_ =	swait.ge [sflag:s13], $0x4000  }
0x2e: {  	[sflag:s13] =	ssyncset.done $0x0  }
0x2f: {  	[sflag:s13] =	ssyncadd.s32 $0xFFFFC000  }
0x30: {  	_ =	swait.ge [sflag:s13], $0x4000  }
0x31: {  	[sflag:s13] =	ssyncset.done $0x0  }
0x32: {  	[sflag:s13] =	ssyncadd.s32 $0xFFFFC000  }
0x33: {  	_ =	swait.ge [sflag:s13], $0x4000  }
0x34: {  	[sflag:s13] =	ssyncset.done $0x0  }
0x35: {  	[sflag:s13] =	ssyncadd.s32 $0xFFFFC000  }
0x36: {  	_ =	swait.ge [sflag:s13], $0x4000  }
.Ltmp1:
0x37: {  	[sflag:s13] =	ssyncset.done $0x0;
	(pc) =	sbr.rel @p0 .LBB2_1-.Ltmp1, $4  }
0x38: {  	[sflag:s13] =	ssyncadd.s32 $0xFFFFC000  }
0x39: {  	[hbm4b:s14+s2] =	stream.linear.scatter [tilespmem:s7], [sflag:$0x2], $0x10000, $0x38;
	[tilespmem:$0x10200] =	vst v63  }
0x3a: {  	_ =	swait.ge [sflag:s3], $0x10000  }
0x3b: {  	[sflag:s3] =	ssyncset.done $0x0  }
.LBB2_2:
0x3c: {  	[sflag:s3] =	ssyncadd.s32 $0xFFFF0000  }
0x3d: {  	_ =	sfence.sel $0x180000  }
0x3e: {  	[bflag:$0x0] =	sbarrier.arrive $0xFFFF  }
0x3f: {  	p0 =	sne.s32 s1, $0x0;
	_ =	strace $0x90000047  }
0x40: {  	s0 =	sadd.s32 @!p0 $0x100000, s0;
	[bflag:$0x2] =	sbarrier.arrive $0xFFFF  }
0x41: {  	[sflag:s0] =	ssyncadd.tile.s32 @!p0 $0x1;
	_ =	shalt  }
.Lfunc_end2:
_tile_overlayer_lowered:
.L_overlay_start_2:
0x42: {  	(tag) =	ssettag $0x2  }
0x43: {  	s0 =	rddreg [dreg:$0x0];
	s2 =	stileid.u32  }
0x44: {  	s1 =	rddreg [dreg:$0x1];
	p0 =	sne.s32 s2, $0x0  }
0x45: {  	s3 =	rddreg [dreg:$0x2];
	[bflag:$0x3] =	sbarrier.arrive $0xFFFF;
	s2 =	simm.s32 @!p0 $0x1C02  }
0x46: {  	[timem:s3], [sflag:s2] =	dma.local @!p0 [hbm:s0], s1  }
0x47: {  	s0 =	simm.s32 @!p0 $0x2  }
0x48: {  	_ =	swait.ge @!p0 [sflag:s0], s1  }
0x49: {  	s1 =	ssub.s32 @!p0 $0x0, s1;
	[sflag:s0] =	ssyncset.done @!p0 $0x0  }
0x4a: {  	[sflag:s0] =	ssyncadd.s32 @!p0 s1  }
0x4b: {  	[bflag:$0x3] =	sbarrier.arrive $0xFFFF  }
0x4c: {  	_ =	shalt  }

</sc_bundles>
